<compile_context>
chip_gen: v7x
topology: tpu7x:2x2x1
jax: 0.10.2.dev20260603
libtpu: 0.0.44.dev20260713+nightly
codegen_flags: <defaults>
</compile_context>

<pallas_src>
import functools

import jax
import jax.numpy as jnp
from jax import lax
from jax.experimental import pallas as pl
from jax.experimental.pallas import tpu as pltpu
from jax.experimental.pallas import tpu_sc as plsc

_B = 1024
_W = 100
_D = 300
_V = 100000
_NB = 64
_CB = _NB * _W


def _sc_gather(table, idx):
    info = plsc.get_sparse_core_info()
    nc, ns, nl = info.num_cores, info.num_subcores, info.num_lanes
    nw = nc * ns
    bpw = _B // nw
    mesh = plsc.VectorSubcoreMesh(core_axis_name="c", subcore_axis_name="s")

    @functools.partial(
        pl.kernel,
        mesh=mesh,
        out_type=jax.ShapeDtypeStruct((_B, _D), jnp.float32),
        scratch_types=[
            pltpu.VMEM((bpw,), jnp.int32),
            pltpu.VMEM((bpw, _D), jnp.float32),
            pltpu.SemaphoreType.DMA,
        ],
        compiler_params=pltpu.CompilerParams(needs_layout_passes=False),
    )
    def gather_kernel(table_hbm, idx_hbm, out_hbm, idx_v, rows_v, sem):
        wid = lax.axis_index("s") * nc + lax.axis_index("c")
        base = wid * bpw
        pltpu.sync_copy(idx_hbm.at[pl.ds(base, bpw)], idx_v)

        lane = lax.iota(jnp.int32, nl)
        neg = jnp.full((nl,), -1, jnp.int32)
        for v in range(bpw // nl):
            vec = idx_v[pl.ds(v * nl, nl)]
            for j in range(nl):
                i = lax.reduce_max(jnp.where(lane == j, vec, neg), axes=(0,))
                pltpu.async_copy(table_hbm.at[i], rows_v.at[v * nl + j], sem)

        def drain(j, carry):
            pltpu.make_async_copy(table_hbm.at[0], rows_v.at[0], sem).wait()
            return carry

        lax.fori_loop(0, bpw, drain, 0)
        pltpu.sync_copy(rows_v, out_hbm.at[pl.ds(base, bpw)])

    return gather_kernel(table, idx)


def _tc_body(x_ref, g_ref, o_ref):
    c = x_ref[...]
    gb = g_ref[...]
    s_all = jax.lax.dot_general(
        gb, c, (((1,), (0,)), ((), ())),
        preferred_element_type=jnp.float32,
    )
    row = lax.broadcasted_iota(jnp.int32, (_NB, _CB), 0)
    col = lax.broadcasted_iota(jnp.int32, (_NB, _CB), 1)
    d = col - row * _W
    mask = (d >= 0) & (d < _W)
    s = jnp.sum(jnp.where(mask, s_all, 0.0), axis=0)
    n2 = jnp.sum(c * c, axis=0)
    o_ref[...] = (s / jnp.maximum(jnp.sqrt(n2), 1e-12))[None, :]


def kernel(ctxt_word_vecs, ent_idxes, ent_embeddings):
    g = _sc_gather(ent_embeddings, ent_idxes)
    xt = ctxt_word_vecs.T
    out = pl.pallas_call(
        _tc_body,
        grid=(_B * _W // _CB,),
        in_specs=[
            pl.BlockSpec((_D, _CB), lambda i: (0, i)),
            pl.BlockSpec((_NB, _D), lambda i: (i, 0)),
        ],
        out_specs=pl.BlockSpec((1, _CB), lambda i: (0, i)),
        out_shape=jax.ShapeDtypeStruct((1, _B * _W), jnp.float32),
    )(xt, g)
    return out.reshape(_B * 20, 5)

# --- scband reference (transcript-rebuilt; emitter-appended) ---
"""Pipeline reference for scband-ent-to-vec-model-18287970746960 (READ-ONLY COPY).

The authoritative reference and input builder live on the scoring server;
editing this copy changes nothing except your own understanding.
"""

import jax, jax.numpy as jnp
import numpy as np

BATCH_SIZE = 1024
NUM_WORDS_PER_ENT = 20
NUM_NEG_WORDS = 5
TOTAL_ENT_NUM = 100000
EMBEDDING_SIZE = 300


def setup_inputs(seed: int = 0) -> dict:
    key = jax.random.key(seed)
    k1, k2, k3 = jax.random.split(key, 3)
    ctxt_word_vecs = jax.random.normal(k1, (BATCH_SIZE * NUM_WORDS_PER_ENT * NUM_NEG_WORDS, EMBEDDING_SIZE), dtype=jnp.float32)
    ent_idxes = jax.random.randint(k2, (BATCH_SIZE,), 0, TOTAL_ENT_NUM, dtype=jnp.int64 if jax.config.jax_enable_x64 else jnp.int32).astype(jnp.int32)
    ent_embeddings = jax.random.normal(k3, (TOTAL_ENT_NUM, EMBEDDING_SIZE), dtype=jnp.float32)
    return {"ctxt_word_vecs": ctxt_word_vecs, "ent_idxes": ent_idxes, "ent_embeddings": ent_embeddings}


def _normalize(x, axis=1, eps=1e-12):
    n = jnp.sqrt(jnp.sum(x * x, axis=axis, keepdims=True))
    return x / jnp.maximum(n, eps)


def reference(ctxt_word_vecs, ent_idxes, ent_embeddings):
    # ent_vecs = self.ent_embeddings(ent_idxes).view(B, -1, 1)
    ent_vecs = jnp.take(ent_embeddings, ent_idxes, axis=0).reshape(BATCH_SIZE, -1, 1)
    # ctxt = F.normalize(ctxt_word_vecs).view(B, W*NEG, -1)
    ctxt = _normalize(ctxt_word_vecs, axis=1).reshape(BATCH_SIZE, NUM_WORDS_PER_ENT * NUM_NEG_WORDS, -1)
    # sims = matmul(ctxt, ent_vecs).view(B*W, -1)
    sims = jnp.matmul(ctxt, ent_vecs).reshape(BATCH_SIZE * NUM_WORDS_PER_ENT, -1)
    return sims

if __name__ == "__main__":
    import jax
    _d = setup_inputs()
    print(jax.jit(kernel)(*tuple(_d.values())))

</pallas_src>

<mosaic_0001>
#map = affine_map<(d0, d1) -> (0, 0)>
#map1 = affine_map<(d0, d1) -> (0)>
module attributes {stable_mosaic.version = 14 : i64} {
  func.func @gather_kernel(%arg0: i32, %arg1: i32, %arg2: memref<100000x300xf32, #tpu.memory_space<hbm>>, %arg3: memref<1024xi32, #tpu.memory_space<hbm>>, %arg4: memref<1024x300xf32, #tpu.memory_space<hbm>>, %arg5: memref<32xi32, #tpu.memory_space<vmem>>, %arg6: memref<32x300xf32, #tpu.memory_space<vmem>>, %arg7: memref<!tpu.dma_semaphore, #tpu.memory_space<semaphore_mem>>) attributes {dimension_semantics = [#tpu.dimension_semantics<core_parallel>, #tpu.dimension_semantics<subcore_parallel>], iteration_bounds = array<i64: 2, 16>, scalar_prefetch = 0 : i64, scratch_operands = 3 : i64, tpu.core_type = #tpu.core_type<sc_vector_subcore>, window_params = [{transform_indices = #map}, {transform_indices = #map1}, {transform_indices = #map}]} {
    %mul3A = arith.constant 2 : i32
    %mul3A_0 = arith.muli %arg1, %mul3A : i32
    %add3A = arith.addi %mul3A_0, %arg0 : i32
    %mul3A_1 = arith.constant 32 : i32
    %mul3A_2 = arith.muli %add3A, %mul3A_1 : i32
    "tpu.region"() ({
      %run_scoped3A = tpu.sem_alloc : memref<!tpu.dma_semaphore, #tpu.memory_space<semaphore_mem>>
      %dma_start3A_808 = tpu.memref_slice %arg3[%mul3A_2] : memref<1024xi32, #tpu.memory_space<hbm>> -> memref<32xi32, #tpu.memory_space<hbm>>
      %dma_start3A_809 = tpu.memref_slice %arg3[%mul3A_2] : memref<1024xi32, #tpu.memory_space<hbm>> -> memref<32xi32, #tpu.memory_space<hbm>>
      tpu.enqueue_dma source(%dma_start3A_809 : memref<32xi32, #tpu.memory_space<hbm>>) target(%arg5 : memref<32xi32, #tpu.memory_space<vmem>>) target_semaphore(%run_scoped3A : memref<!tpu.dma_semaphore, #tpu.memory_space<semaphore_mem>>)
      %dma_wait3A = tpu.memref_slice %arg3[%mul3A_2] : memref<1024xi32, #tpu.memory_space<hbm>> -> memref<32xi32, #tpu.memory_space<hbm>>
      %dma_wait3A_810 = tpu.memref_slice %arg3[%mul3A_2] : memref<1024xi32, #tpu.memory_space<hbm>> -> memref<32xi32, #tpu.memory_space<hbm>>
      tpu.wait_dma2 semaphore(%run_scoped3A : memref<!tpu.dma_semaphore, #tpu.memory_space<semaphore_mem>>) src(%dma_wait3A_810 : memref<32xi32, #tpu.memory_space<hbm>>) dst(%arg5 : memref<32xi32, #tpu.memory_space<vmem>>)
      tpu.yield
    }) : () -> ()
    %iota3A = tpu.iota {dimensions = array<i32: 0>} : vector<16xi32>
    %broadcast_in_dim3A = arith.constant -1 : i32
    %broadcast_in_dim3A_3 = vector.broadcast %broadcast_in_dim3A : i32 to vector<16xi32>
    %get3A = arith.constant 0 : index
    %get3A_4 = tpu.vector_load %arg5[%get3A] {strides = array<i32>} : memref<32xi32, #tpu.memory_space<vmem>>, vector<16xi32>,
    %eq3A = arith.constant 0 : i32
    %eq3A_5 = vector.broadcast %eq3A : i32 to vector<16xi32>
    %eq3A_6 = arith.cmpi eq, %iota3A, %eq3A_5 : vector<16xi32>
    %select_n3A = arith.select %eq3A_6, %get3A_4, %broadcast_in_dim3A_3 : vector<16xi1>, vector<16xi32>
    %reduce_max3A = arith.constant true
    %reduce_max3A_7 = vector.broadcast %reduce_max3A : i1 to vector<16xi1>
    %reduce_max3A_8 = arith.constant -2147483648 : i32
    %reduce_max3A_9 = vector.broadcast %reduce_max3A_8 : i32 to vector<16xi32>
    %reduce_max3A_10 = arith.xori %select_n3A, %reduce_max3A_9 : vector<16xi32>
    %reduce_max3A_11 = tpu.scan <max>, %reduce_max3A_10 masked %reduce_max3A_7 : vector<16xi32>, vector<16xi1> -> vector<16xi32>
    %reduce_max3A_12 = arith.xori %reduce_max3A_11, %reduce_max3A_9 : vector<16xi32>
    %reduce_max3A_13 = vector.extract %reduce_max3A_12[15] : i32 from vector<16xi32>
    %dma_start3A = arith.constant 0 : i32
    %dma_start3A_14 = arith.constant 0 : i32
    %dma_start3A_15 = tpu.memref_slice %arg6[%dma_start3A, %dma_start3A_14] : memref<32x300xf32, #tpu.memory_space<vmem>> -> memref<1x300xf32, #tpu.memory_space<vmem>>
    %dma_start3A_16 = tpu.memref_squeeze %dma_start3A_15 : memref<1x300xf32, #tpu.memory_space<vmem>> -> memref<300xf32, #tpu.memory_space<vmem>>
    %dma_start3A_17 = arith.constant 0 : i32
    %dma_start3A_18 = tpu.memref_slice %arg2[%reduce_max3A_13, %dma_start3A_17] : memref<100000x300xf32, #tpu.memory_space<hbm>> -> memref<1x300xf32, #tpu.memory_space<hbm>>
    %dma_start3A_19 = tpu.memref_squeeze %dma_start3A_18 : memref<1x300xf32, #tpu.memory_space<hbm>> -> memref<300xf32, #tpu.memory_space<hbm>>
    %dma_start3A_20 = arith.constant 0 : i32
    %dma_start3A_21 = tpu.memref_slice %arg6[%dma_start3A, %dma_start3A_20] : memref<32x300xf32, #tpu.memory_space<vmem>> -> memref<1x300xf32, #tpu.memory_space<vmem>>
    %dma_start3A_22 = tpu.memref_squeeze %dma_start3A_21 : memref<1x300xf32, #tpu.memory_space<vmem>> -> memref<300xf32, #tpu.memory_space<vmem>>
    %dma_start3A_23 = arith.constant 0 : i32
    %dma_start3A_24 = tpu.memref_slice %arg2[%reduce_max3A_13, %dma_start3A_23] : memref<100000x300xf32, #tpu.memory_space<hbm>> -> memref<1x300xf32, #tpu.memory_space<hbm>>
    %dma_start3A_25 = tpu.memref_squeeze %dma_start3A_24 : memref<1x300xf32, #tpu.memory_space<hbm>> -> memref<300xf32, #tpu.memory_space<hbm>>
    tpu.enqueue_dma source(%dma_start3A_25 : memref<300xf32, #tpu.memory_space<hbm>>) target(%dma_start3A_22 : memref<300xf32, #tpu.memory_space<vmem>>) target_semaphore(%arg7 : memref<!tpu.dma_semaphore, #tpu.memory_space<semaphore_mem>>)
    %eq3A_26 = arith.constant 1 : i32
    %eq3A_27 = vector.broadcast %eq3A_26 : i32 to vector<16xi32>
    %eq3A_28 = arith.cmpi eq, %iota3A, %eq3A_27 : vector<16xi32>
    %select_n3A_29 = arith.select %eq3A_28, %get3A_4, %broadcast_in_dim3A_3 : vector<16xi1>, vector<16xi32>
    %reduce_max3A_30 = arith.constant true
    %reduce_max3A_31 = vector.broadcast %reduce_max3A_30 : i1 to vector<16xi1>
    %reduce_max3A_32 = arith.constant -2147483648 : i32
    %reduce_max3A_33 = vector.broadcast %reduce_max3A_32 : i32 to vector<16xi32>
    %reduce_max3A_34 = arith.xori %select_n3A_29, %reduce_max3A_33 : vector<16xi32>
    %reduce_max3A_35 = tpu.scan <max>, %reduce_max3A_34 masked %reduce_max3A_31 : vector<16xi32>, vector<16xi1> -> vector<16xi32>
    %reduce_max3A_36 = arith.xori %reduce_max3A_35, %reduce_max3A_33 : vector<16xi32>
    %reduce_max3A_37 = vector.extract %reduce_max3A_36[15] : i32 from vector<16xi32>
    %dma_start3A_38 = arith.constant 1 : i32
    %dma_start3A_39 = arith.constant 0 : i32
    %dma_start3A_40 = tpu.memref_slice %arg6[%dma_start3A_38, %dma_start3A_39] : memref<32x300xf32, #tpu.memory_space<vmem>> -> memref<1x300xf32, #tpu.memory_space<vmem>>
    %dma_start3A_41 = tpu.memref_squeeze %dma_start3A_40 : memref<1x300xf32, #tpu.memory_space<vmem>> -> memref<300xf32, #tpu.memory_space<vmem>>
    %dma_start3A_42 = arith.constant 0 : i32
    %dma_start3A_43 = tpu.memref_slice %arg2[%reduce_max3A_37, %dma_start3A_42] : memref<100000x300xf32, #tpu.memory_space<hbm>> -> memref<1x300xf32, #tpu.memory_space<hbm>>
    %dma_start3A_44 = tpu.memref_squeeze %dma_start3A_43 : memref<1x300xf32, #tpu.memory_space<hbm>> -> memref<300xf32, #tpu.memory_space<hbm>>
    %dma_start3A_45 = arith.constant 0 : i32
    %dma_start3A_46 = tpu.memref_slice %arg6[%dma_start3A_38, %dma_start3A_45] : memref<32x300xf32, #tpu.memory_space<vmem>> -> memref<1x300xf32, #tpu.memory_space<vmem>>
    %dma_start3A_47 = tpu.memref_squeeze %dma_start3A_46 : memref<1x300xf32, #tpu.memory_space<vmem>> -> memref<300xf32, #tpu.memory_space<vmem>>
    %dma_start3A_48 = arith.constant 0 : i32
    %dma_start3A_49 = tpu.memref_slice %arg2[%reduce_max3A_37, %dma_start3A_48] : memref<100000x300xf32, #tpu.memory_space<hbm>> -> memref<1x300xf32, #tpu.memory_space<hbm>>
    %dma_start3A_50 = tpu.memref_squeeze %dma_start3A_49 : memref<1x300xf32, #tpu.memory_space<hbm>> -> memref<300xf32, #tpu.memory_space<hbm>>
    tpu.enqueue_dma source(%dma_start3A_50 : memref<300xf32, #tpu.memory_space<hbm>>) target(%dma_start3A_47 : memref<300xf32, #tpu.memory_space<vmem>>) target_semaphore(%arg7 : memref<!tpu.dma_semaphore, #tpu.memory_space<semaphore_mem>>)
    %eq3A_51 = arith.constant 2 : i32
    %eq3A_52 = vector.broadcast %eq3A_51 : i32 to vector<16xi32>
    %eq3A_53 = arith.cmpi eq, %iota3A, %eq3A_52 : vector<16xi32>
    %select_n3A_54 = arith.select %eq3A_53, %get3A_4, %broadcast_in_dim3A_3 : vector<16xi1>, vector<16xi32>
    %reduce_max3A_55 = arith.constant true
    %reduce_max3A_56 = vector.broadcast %reduce_max3A_55 : i1 to vector<16xi1>
    %reduce_max3A_57 = arith.constant -2147483648 : i32
    %reduce_max3A_58 = vector.broadcast %reduce_max3A_57 : i32 to vector<16xi32>
    %reduce_max3A_59 = arith.xori %select_n3A_54, %reduce_max3A_58 : vector<16xi32>
    %reduce_max3A_60 = tpu.scan <max>, %reduce_max3A_59 masked %reduce_max3A_56 : vector<16xi32>, vector<16xi1> -> vector<16xi32>
    %reduce_max3A_61 = arith.xori %reduce_max3A_60, %reduce_max3A_58 : vector<16xi32>
    %reduce_max3A_62 = vector.extract %reduce_max3A_61[15] : i32 from vector<16xi32>
    %dma_start3A_63 = arith.constant 2 : i32
    %dma_start3A_64 = arith.constant 0 : i32
    %dma_start3A_65 = tpu.memref_slice %arg6[%dma_start3A_63, %dma_start3A_64] : memref<32x300xf32, #tpu.memory_space<vmem>> -> memref<1x300xf32, #tpu.memory_space<vmem>>
    %dma_start3A_66 = tpu.memref_squeeze %dma_start3A_65 : memref<1x300xf32, #tpu.memory_space<vmem>> -> memref<300xf32, #tpu.memory_space<vmem>>
    %dma_start3A_67 = arith.constant 0 : i32
    %dma_start3A_68 = tpu.memref_slice %arg2[%reduce_max3A_62, %dma_start3A_67] : memref<100000x300xf32, #tpu.memory_space<hbm>> -> memref<1x300xf32, #tpu.memory_space<hbm>>
    %dma_start3A_69 = tpu.memref_squeeze %dma_start3A_68 : memref<1x300xf32, #tpu.memory_space<hbm>> -> memref<300xf32, #tpu.memory_space<hbm>>
    %dma_start3A_70 = arith.constant 0 : i32
    %dma_start3A_71 = tpu.memref_slice %arg6[%dma_start3A_63, %dma_start3A_70] : memref<32x300xf32, #tpu.memory_space<vmem>> -> memref<1x300xf32, #tpu.memory_space<vmem>>
    %dma_start3A_72 = tpu.memref_squeeze %dma_start3A_71 : memref<1x300xf32, #tpu.memory_space<vmem>> -> memref<300xf32, #tpu.memory_space<vmem>>
    %dma_start3A_73 = arith.constant 0 : i32
    %dma_start3A_74 = tpu.memref_slice %arg2[%reduce_max3A_62, %dma_start3A_73] : memref<100000x300xf32, #tpu.memory_space<hbm>> -> memref<1x300xf32, #tpu.memory_space<hbm>>
    %dma_start3A_75 = tpu.memref_squeeze %dma_start3A_74 : memref<1x300xf32, #tpu.memory_space<hbm>> -> memref<300xf32, #tpu.memory_space<hbm>>
    tpu.enqueue_dma source(%dma_start3A_75 : memref<300xf32, #tpu.memory_space<hbm>>) target(%dma_start3A_72 : memref<300xf32, #tpu.memory_space<vmem>>) target_semaphore(%arg7 : memref<!tpu.dma_semaphore, #tpu.memory_space<semaphore_mem>>)
    %eq3A_76 = arith.constant 3 : i32
    %eq3A_77 = vector.broadcast %eq3A_76 : i32 to vector<16xi32>
    %eq3A_78 = arith.cmpi eq, %iota3A, %eq3A_77 : vector<16xi32>
    %select_n3A_79 = arith.select %eq3A_78, %get3A_4, %broadcast_in_dim3A_3 : vector<16xi1>, vector<16xi32>
    %reduce_max3A_80 = arith.constant true
    %reduce_max3A_81 = vector.broadcast %reduce_max3A_80 : i1 to vector<16xi1>
    %reduce_max3A_82 = arith.constant -2147483648 : i32
    %reduce_max3A_83 = vector.broadcast %reduce_max3A_82 : i32 to vector<16xi32>
    %reduce_max3A_84 = arith.xori %select_n3A_79, %reduce_max3A_83 : vector<16xi32>
    %reduce_max3A_85 = tpu.scan <max>, %reduce_max3A_84 masked %reduce_max3A_81 : vector<16xi32>, vector<16xi1> -> vector<16xi32>
    %reduce_max3A_86 = arith.xori %reduce_max3A_85, %reduce_max3A_83 : vector<16xi32>
    %reduce_max3A_87 = vector.extract %reduce_max3A_86[15] : i32 from vector<16xi32>
    %dma_start3A_88 = arith.constant 3 : i32
    %dma_start3A_89 = arith.constant 0 : i32
    %dma_start3A_90 = tpu.memref_slice %arg6[%dma_start3A_88, %dma_start3A_89] : memref<32x300xf32, #tpu.memory_space<vmem>> -> memref<1x300xf32, #tpu.memory_space<vmem>>
    %dma_start3A_91 = tpu.memref_squeeze %dma_start3A_90 : memref<1x300xf32, #tpu.memory_space<vmem>> -> memref<300xf32, #tpu.memory_space<vmem>>
    %dma_start3A_92 = arith.constant 0 : i32
    %dma_start3A_93 = tpu.memref_slice %arg2[%reduce_max3A_87, %dma_start3A_92] : memref<100000x300xf32, #tpu.memory_space<hbm>> -> memref<1x300xf32, #tpu.memory_space<hbm>>
    %dma_start3A_94 = tpu.memref_squeeze %dma_start3A_93 : memref<1x300xf32, #tpu.memory_space<hbm>> -> memref<300xf32, #tpu.memory_space<hbm>>
    %dma_start3A_95 = arith.constant 0 : i32
    %dma_start3A_96 = tpu.memref_slice %arg6[%dma_start3A_88, %dma_start3A_95] : memref<32x300xf32, #tpu.memory_space<vmem>> -> memref<1x300xf32, #tpu.memory_space<vmem>>
    %dma_start3A_97 = tpu.memref_squeeze %dma_start3A_96 : memref<1x300xf32, #tpu.memory_space<vmem>> -> memref<300xf32, #tpu.memory_space<vmem>>
    %dma_start3A_98 = arith.constant 0 : i32
    %dma_start3A_99 = tpu.memref_slice %arg2[%reduce_max3A_87, %dma_start3A_98] : memref<100000x300xf32, #tpu.memory_space<hbm>> -> memref<1x300xf32, #tpu.memory_space<hbm>>
    %dma_start3A_100 = tpu.memref_squeeze %dma_start3A_99 : memref<1x300xf32, #tpu.memory_space<hbm>> -> memref<300xf32, #tpu.memory_space<hbm>>
    tpu.enqueue_dma source(%dma_start3A_100 : memref<300xf32, #tpu.memory_space<hbm>>) target(%dma_start3A_97 : memref<300xf32, #tpu.memory_space<vmem>>) target_semaphore(%arg7 : memref<!tpu.dma_semaphore, #tpu.memory_space<semaphore_mem>>)
    %eq3A_101 = arith.constant 4 : i32
    %eq3A_102 = vector.broadcast %eq3A_101 : i32 to vector<16xi32>
    %eq3A_103 = arith.cmpi eq, %iota3A, %eq3A_102 : vector<16xi32>
    %select_n3A_104 = arith.select %eq3A_103, %get3A_4, %broadcast_in_dim3A_3 : vector<16xi1>, vector<16xi32>
    %reduce_max3A_105 = arith.constant true
    %reduce_max3A_106 = vector.broadcast %reduce_max3A_105 : i1 to vector<16xi1>
    %reduce_max3A_107 = arith.constant -2147483648 : i32
    %reduce_max3A_108 = vector.broadcast %reduce_max3A_107 : i32 to vector<16xi32>
    %reduce_max3A_109 = arith.xori %select_n3A_104, %reduce_max3A_108 : vector<16xi32>
    %reduce_max3A_110 = tpu.scan <max>, %reduce_max3A_109 masked %reduce_max3A_106 : vector<16xi32>, vector<16xi1> -> vector<16xi32>
    %reduce_max3A_111 = arith.xori %reduce_max3A_110, %reduce_max3A_108 : vector<16xi32>
    %reduce_max3A_112 = vector.extract %reduce_max3A_111[15] : i32 from vector<16xi32>
    %dma_start3A_113 = arith.constant 4 : i32
    %dma_start3A_114 = arith.constant 0 : i32
    %dma_start3A_115 = tpu.memref_slice %arg6[%dma_start3A_113, %dma_start3A_114] : memref<32x300xf32, #tpu.memory_space<vmem>> -> memref<1x300xf32, #tpu.memory_space<vmem>>
    %dma_start3A_116 = tpu.memref_squeeze %dma_start3A_115 : memref<1x300xf32, #tpu.memory_space<vmem>> -> memref<300xf32, #tpu.memory_space<vmem>>
    %dma_start3A_117 = arith.constant 0 : i32
    %dma_start3A_118 = tpu.memref_slice %arg2[%reduce_max3A_112, %dma_start3A_117] : memref<100000x300xf32, #tpu.memory_space<hbm>> -> memref<1x300xf32, #tpu.memory_space<hbm>>
    %dma_start3A_119 = tpu.memref_squeeze %dma_start3A_118 : memref<1x300xf32, #tpu.memory_space<hbm>> -> memref<300xf32, #tpu.memory_space<hbm>>
    %dma_start3A_120 = arith.constant 0 : i32
    %dma_start3A_121 = tpu.memref_slice %arg6[%dma_start3A_113, %dma_start3A_120] : memref<32x300xf32, #tpu.memory_space<vmem>> -> memref<1x300xf32, #tpu.memory_space<vmem>>
    %dma_start3A_122 = tpu.memref_squeeze %dma_start3A_121 : memref<1x300xf32, #tpu.memory_space<vmem>> -> memref<300xf32, #tpu.memory_space<vmem>>
    %dma_start3A_123 = arith.constant 0 : i32
    %dma_start3A_124 = tpu.memref_slice %arg2[%reduce_max3A_112, %dma_start3A_123] : memref<100000x300xf32, #tpu.memory_space<hbm>> -> memref<1x300xf32, #tpu.memory_space<hbm>>
    %dma_start3A_125 = tpu.memref_squeeze %dma_start3A_124 : memref<1x300xf32, #tpu.memory_space<hbm>> -> memref<300xf32, #tpu.memory_space<hbm>>
    tpu.enqueue_dma source(%dma_start3A_125 : memref<300xf32, #tpu.memory_space<hbm>>) target(%dma_start3A_122 : memref<300xf32, #tpu.memory_space<vmem>>) target_semaphore(%arg7 : memref<!tpu.dma_semaphore, #tpu.memory_space<semaphore_mem>>)
    %eq3A_126 = arith.constant 5 : i32
    %eq3A_127 = vector.broadcast %eq3A_126 : i32 to vector<16xi32>
    %eq3A_128 = arith.cmpi eq, %iota3A, %eq3A_127 : vector<16xi32>
    %select_n3A_129 = arith.select %eq3A_128, %get3A_4, %broadcast_in_dim3A_3 : vector<16xi1>, vector<16xi32>
    %reduce_max3A_130 = arith.constant true
    %reduce_max3A_131 = vector.broadcast %reduce_max3A_130 : i1 to vector<16xi1>
    %reduce_max3A_132 = arith.constant -2147483648 : i32
    %reduce_max3A_133 = vector.broadcast %reduce_max3A_132 : i32 to vector<16xi32>
    %reduce_max3A_134 = arith.xori %select_n3A_129, %reduce_max3A_133 : vector<16xi32>
    %reduce_max3A_135 = tpu.scan <max>, %reduce_max3A_134 masked %reduce_max3A_131 : vector<16xi32>, vector<16xi1> -> vector<16xi32>
    %reduce_max3A_136 = arith.xori %reduce_max3A_135, %reduce_max3A_133 : vector<16xi32>
    %reduce_max3A_137 = vector.extract %reduce_max3A_136[15] : i32 from vector<16xi32>
    %dma_start3A_138 = arith.constant 5 : i32
    %dma_start3A_139 = arith.constant 0 : i32
    %dma_start3A_140 = tpu.memref_slice %arg6[%dma_start3A_138, %dma_start3A_139] : memref<32x300xf32, #tpu.memory_space<vmem>> -> memref<1x300xf32, #tpu.memory_space<vmem>>
    %dma_start3A_141 = tpu.memref_squeeze %dma_start3A_140 : memref<1x300xf32, #tpu.memory_space<vmem>> -> memref<300xf32, #tpu.memory_space<vmem>>
    %dma_start3A_142 = arith.constant 0 : i32
    %dma_start3A_143 = tpu.memref_slice %arg2[%reduce_max3A_137, %dma_start3A_142] : memref<100000x300xf32, #tpu.memory_space<hbm>> -> memref<1x300xf32, #tpu.memory_space<hbm>>
    %dma_start3A_144 = tpu.memref_squeeze %dma_start3A_143 : memref<1x300xf32, #tpu.memory_space<hbm>> -> memref<300xf32, #tpu.memory_space<hbm>>
    %dma_start3A_145 = arith.constant 0 : i32
    %dma_start3A_146 = tpu.memref_slice %arg6[%dma_start3A_138, %dma_start3A_145] : memref<32x300xf32, #tpu.memory_space<vmem>> -> memref<1x300xf32, #tpu.memory_space<vmem>>
    %dma_start3A_147 = tpu.memref_squeeze %dma_start3A_146 : memref<1x300xf32, #tpu.memory_space<vmem>> -> memref<300xf32, #tpu.memory_space<vmem>>
    %dma_start3A_148 = arith.constant 0 : i32
    %dma_start3A_149 = tpu.memref_slice %arg2[%reduce_max3A_137, %dma_start3A_148] : memref<100000x300xf32, #tpu.memory_space<hbm>> -> memref<1x300xf32, #tpu.memory_space<hbm>>
    %dma_start3A_150 = tpu.memref_squeeze %dma_start3A_149 : memref<1x300xf32, #tpu.memory_space<hbm>> -> memref<300xf32, #tpu.memory_space<hbm>>
    tpu.enqueue_dma source(%dma_start3A_150 : memref<300xf32, #tpu.memory_space<hbm>>) target(%dma_start3A_147 : memref<300xf32, #tpu.memory_space<vmem>>) target_semaphore(%arg7 : memref<!tpu.dma_semaphore, #tpu.memory_space<semaphore_mem>>)
    %eq3A_151 = arith.constant 6 : i32
    %eq3A_152 = vector.broadcast %eq3A_151 : i32 to vector<16xi32>
    %eq3A_153 = arith.cmpi eq, %iota3A, %eq3A_152 : vector<16xi32>
    %select_n3A_154 = arith.select %eq3A_153, %get3A_4, %broadcast_in_dim3A_3 : vector<16xi1>, vector<16xi32>
    %reduce_max3A_155 = arith.constant true
    %reduce_max3A_156 = vector.broadcast %reduce_max3A_155 : i1 to vector<16xi1>
    %reduce_max3A_157 = arith.constant -2147483648 : i32
    %reduce_max3A_158 = vector.broadcast %reduce_max3A_157 : i32 to vector<16xi32>
    %reduce_max3A_159 = arith.xori %select_n3A_154, %reduce_max3A_158 : vector<16xi32>
    %reduce_max3A_160 = tpu.scan <max>, %reduce_max3A_159 masked %reduce_max3A_156 : vector<16xi32>, vector<16xi1> -> vector<16xi32>
    %reduce_max3A_161 = arith.xori %reduce_max3A_160, %reduce_max3A_158 : vector<16xi32>
    %reduce_max3A_162 = vector.extract %reduce_max3A_161[15] : i32 from vector<16xi32>
    %dma_start3A_163 = arith.constant 6 : i32
    %dma_start3A_164 = arith.constant 0 : i32
    %dma_start3A_165 = tpu.memref_slice %arg6[%dma_start3A_163, %dma_start3A_164] : memref<32x300xf32, #tpu.memory_space<vmem>> -> memref<1x300xf32, #tpu.memory_space<vmem>>
    %dma_start3A_166 = tpu.memref_squeeze %dma_start3A_165 : memref<1x300xf32, #tpu.memory_space<vmem>> -> memref<300xf32, #tpu.memory_space<vmem>>
    %dma_start3A_167 = arith.constant 0 : i32
    %dma_start3A_168 = tpu.memref_slice %arg2[%reduce_max3A_162, %dma_start3A_167] : memref<100000x300xf32, #tpu.memory_space<hbm>> -> memref<1x300xf32, #tpu.memory_space<hbm>>
    %dma_start3A_169 = tpu.memref_squeeze %dma_start3A_168 : memref<1x300xf32, #tpu.memory_space<hbm>> -> memref<300xf32, #tpu.memory_space<hbm>>
    %dma_start3A_170 = arith.constant 0 : i32
    %dma_start3A_171 = tpu.memref_slice %arg6[%dma_start3A_163, %dma_start3A_170] : memref<32x300xf32, #tpu.memory_space<vmem>> -> memref<1x300xf32, #tpu.memory_space<vmem>>
    %dma_start3A_172 = tpu.memref_squeeze %dma_start3A_171 : memref<1x300xf32, #tpu.memory_space<vmem>> -> memref<300xf32, #tpu.memory_space<vmem>>
    %dma_start3A_173 = arith.constant 0 : i32
    %dma_start3A_174 = tpu.memref_slice %arg2[%reduce_max3A_162, %dma_start3A_173] : memref<100000x300xf32, #tpu.memory_space<hbm>> -> memref<1x300xf32, #tpu.memory_space<hbm>>
    %dma_start3A_175 = tpu.memref_squeeze %dma_start3A_174 : memref<1x300xf32, #tpu.memory_space<hbm>> -> memref<300xf32, #tpu.memory_space<hbm>>
    tpu.enqueue_dma source(%dma_start3A_175 : memref<300xf32, #tpu.memory_space<hbm>>) target(%dma_start3A_172 : memref<300xf32, #tpu.memory_space<vmem>>) target_semaphore(%arg7 : memref<!tpu.dma_semaphore, #tpu.memory_space<semaphore_mem>>)
    %eq3A_176 = arith.constant 7 : i32
    %eq3A_177 = vector.broadcast %eq3A_176 : i32 to vector<16xi32>
    %eq3A_178 = arith.cmpi eq, %iota3A, %eq3A_177 : vector<16xi32>
    %select_n3A_179 = arith.select %eq3A_178, %get3A_4, %broadcast_in_dim3A_3 : vector<16xi1>, vector<16xi32>
    %reduce_max3A_180 = arith.constant true
    %reduce_max3A_181 = vector.broadcast %reduce_max3A_180 : i1 to vector<16xi1>
    %reduce_max3A_182 = arith.constant -2147483648 : i32
    %reduce_max3A_183 = vector.broadcast %reduce_max3A_182 : i32 to vector<16xi32>
    %reduce_max3A_184 = arith.xori %select_n3A_179, %reduce_max3A_183 : vector<16xi32>
    %reduce_max3A_185 = tpu.scan <max>, %reduce_max3A_184 masked %reduce_max3A_181 : vector<16xi32>, vector<16xi1> -> vector<16xi32>
    %reduce_max3A_186 = arith.xori %reduce_max3A_185, %reduce_max3A_183 : vector<16xi32>
    %reduce_max3A_187 = vector.extract %reduce_max3A_186[15] : i32 from vector<16xi32>
    %dma_start3A_188 = arith.constant 7 : i32
    %dma_start3A_189 = arith.constant 0 : i32
    %dma_start3A_190 = tpu.memref_slice %arg6[%dma_start3A_188, %dma_start3A_189] : memref<32x300xf32, #tpu.memory_space<vmem>> -> memref<1x300xf32, #tpu.memory_space<vmem>>
    %dma_start3A_191 = tpu.memref_squeeze %dma_start3A_190 : memref<1x300xf32, #tpu.memory_space<vmem>> -> memref<300xf32, #tpu.memory_space<vmem>>
    %dma_start3A_192 = arith.constant 0 : i32
    %dma_start3A_193 = tpu.memref_slice %arg2[%reduce_max3A_187, %dma_start3A_192] : memref<100000x300xf32, #tpu.memory_space<hbm>> -> memref<1x300xf32, #tpu.memory_space<hbm>>
    %dma_start3A_194 = tpu.memref_squeeze %dma_start3A_193 : memref<1x300xf32, #tpu.memory_space<hbm>> -> memref<300xf32, #tpu.memory_space<hbm>>
    %dma_start3A_195 = arith.constant 0 : i32
    %dma_start3A_196 = tpu.memref_slice %arg6[%dma_start3A_188, %dma_start3A_195] : memref<32x300xf32, #tpu.memory_space<vmem>> -> memref<1x300xf32, #tpu.memory_space<vmem>>
    %dma_start3A_197 = tpu.memref_squeeze %dma_start3A_196 : memref<1x300xf32, #tpu.memory_space<vmem>> -> memref<300xf32, #tpu.memory_space<vmem>>
    %dma_start3A_198 = arith.constant 0 : i32
    %dma_start3A_199 = tpu.memref_slice %arg2[%reduce_max3A_187, %dma_start3A_198] : memref<100000x300xf32, #tpu.memory_space<hbm>> -> memref<1x300xf32, #tpu.memory_space<hbm>>
    %dma_start3A_200 = tpu.memref_squeeze %dma_start3A_199 : memref<1x300xf32, #tpu.memory_space<hbm>> -> memref<300xf32, #tpu.memory_space<hbm>>
    tpu.enqueue_dma source(%dma_start3A_200 : memref<300xf32, #tpu.memory_space<hbm>>) target(%dma_start3A_197 : memref<300xf32, #tpu.memory_space<vmem>>) target_semaphore(%arg7 : memref<!tpu.dma_semaphore, #tpu.memory_space<semaphore_mem>>)
    %eq3A_201 = arith.constant 8 : i32
    %eq3A_202 = vector.broadcast %eq3A_201 : i32 to vector<16xi32>
    %eq3A_203 = arith.cmpi eq, %iota3A, %eq3A_202 : vector<16xi32>
    %select_n3A_204 = arith.select %eq3A_203, %get3A_4, %broadcast_in_dim3A_3 : vector<16xi1>, vector<16xi32>
    %reduce_max3A_205 = arith.constant true
    %reduce_max3A_206 = vector.broadcast %reduce_max3A_205 : i1 to vector<16xi1>
    %reduce_max3A_207 = arith.constant -2147483648 : i32
    %reduce_max3A_208 = vector.broadcast %reduce_max3A_207 : i32 to vector<16xi32>
    %reduce_max3A_209 = arith.xori %select_n3A_204, %reduce_max3A_208 : vector<16xi32>
    %reduce_max3A_210 = tpu.scan <max>, %reduce_max3A_209 masked %reduce_max3A_206 : vector<16xi32>, vector<16xi1> -> vector<16xi32>
    %reduce_max3A_211 = arith.xori %reduce_max3A_210, %reduce_max3A_208 : vector<16xi32>
    %reduce_max3A_212 = vector.extract %reduce_max3A_211[15] : i32 from vector<16xi32>
    %dma_start3A_213 = arith.constant 8 : i32
    %dma_start3A_214 = arith.constant 0 : i32
    %dma_start3A_215 = tpu.memref_slice %arg6[%dma_start3A_213, %dma_start3A_214] : memref<32x300xf32, #tpu.memory_space<vmem>> -> memref<1x300xf32, #tpu.memory_space<vmem>>
    %dma_start3A_216 = tpu.memref_squeeze %dma_start3A_215 : memref<1x300xf32, #tpu.memory_space<vmem>> -> memref<300xf32, #tpu.memory_space<vmem>>
    %dma_start3A_217 = arith.constant 0 : i32
    %dma_start3A_218 = tpu.memref_slice %arg2[%reduce_max3A_212, %dma_start3A_217] : memref<100000x300xf32, #tpu.memory_space<hbm>> -> memref<1x300xf32, #tpu.memory_space<hbm>>
    %dma_start3A_219 = tpu.memref_squeeze %dma_start3A_218 : memref<1x300xf32, #tpu.memory_space<hbm>> -> memref<300xf32, #tpu.memory_space<hbm>>
    %dma_start3A_220 = arith.constant 0 : i32
    %dma_start3A_221 = tpu.memref_slice %arg6[%dma_start3A_213, %dma_start3A_220] : memref<32x300xf32, #tpu.memory_space<vmem>> -> memref<1x300xf32, #tpu.memory_space<vmem>>
    %dma_start3A_222 = tpu.memref_squeeze %dma_start3A_221 : memref<1x300xf32, #tpu.memory_space<vmem>> -> memref<300xf32, #tpu.memory_space<vmem>>
    %dma_start3A_223 = arith.constant 0 : i32
    %dma_start3A_224 = tpu.memref_slice %arg2[%reduce_max3A_212, %dma_start3A_223] : memref<100000x300xf32, #tpu.memory_space<hbm>> -> memref<1x300xf32, #tpu.memory_space<hbm>>
    %dma_start3A_225 = tpu.memref_squeeze %dma_start3A_224 : memref<1x300xf32, #tpu.memory_space<hbm>> -> memref<300xf32, #tpu.memory_space<hbm>>
    tpu.enqueue_dma source(%dma_start3A_225 : memref<300xf32, #tpu.memory_space<hbm>>) target(%dma_start3A_222 : memref<300xf32, #tpu.memory_space<vmem>>) target_semaphore(%arg7 : memref<!tpu.dma_semaphore, #tpu.memory_space<semaphore_mem>>)
    %eq3A_226 = arith.constant 9 : i32
    %eq3A_227 = vector.broadcast %eq3A_226 : i32 to vector<16xi32>
    %eq3A_228 = arith.cmpi eq, %iota3A, %eq3A_227 : vector<16xi32>
    %select_n3A_229 = arith.select %eq3A_228, %get3A_4, %broadcast_in_dim3A_3 : vector<16xi1>, vector<16xi32>
    %reduce_max3A_230 = arith.constant true
    %reduce_max3A_231 = vector.broadcast %reduce_max3A_230 : i1 to vector<16xi1>
    %reduce_max3A_232 = arith.constant -2147483648 : i32
    %reduce_max3A_233 = vector.broadcast %reduce_max3A_232 : i32 to vector<16xi32>
    %reduce_max3A_234 = arith.xori %select_n3A_229, %reduce_max3A_233 : vector<16xi32>
    %reduce_max3A_235 = tpu.scan <max>, %reduce_max3A_234 masked %reduce_max3A_231 : vector<16xi32>, vector<16xi1> -> vector<16xi32>
    %reduce_max3A_236 = arith.xori %reduce_max3A_235, %reduce_max3A_233 : vector<16xi32>
    %reduce_max3A_237 = vector.extract %reduce_max3A_236[15] : i32 from vector<16xi32>
    %dma_start3A_238 = arith.constant 9 : i32
    %dma_start3A_239 = arith.constant 0 : i32
    %dma_start3A_240 = tpu.memref_slice %arg6[%dma_start3A_238, %dma_start3A_239] : memref<32x300xf32, #tpu.memory_space<vmem>> -> memref<1x300xf32, #tpu.memory_space<vmem>>
    %dma_start3A_241 = tpu.memref_squeeze %dma_start3A_240 : memref<1x300xf32, #tpu.memory_space<vmem>> -> memref<300xf32, #tpu.memory_space<vmem>>
    %dma_start3A_242 = arith.constant 0 : i32
    %dma_start3A_243 = tpu.memref_slice %arg2[%reduce_max3A_237, %dma_start3A_242] : memref<100000x300xf32, #tpu.memory_space<hbm>> -> memref<1x300xf32, #tpu.memory_space<hbm>>
    %dma_start3A_244 = tpu.memref_squeeze %dma_start3A_243 : memref<1x300xf32, #tpu.memory_space<hbm>> -> memref<300xf32, #tpu.memory_space<hbm>>
    %dma_start3A_245 = arith.constant 0 : i32
    %dma_start3A_246 = tpu.memref_slice %arg6[%dma_start3A_238, %dma_start3A_245] : memref<32x300xf32, #tpu.memory_space<vmem>> -> memref<1x300xf32, #tpu.memory_space<vmem>>
    %dma_start3A_247 = tpu.memref_squeeze %dma_start3A_246 : memref<1x300xf32, #tpu.memory_space<vmem>> -> memref<300xf32, #tpu.memory_space<vmem>>
    %dma_start3A_248 = arith.constant 0 : i32
    %dma_start3A_249 = tpu.memref_slice %arg2[%reduce_max3A_237, %dma_start3A_248] : memref<100000x300xf32, #tpu.memory_space<hbm>> -> memref<1x300xf32, #tpu.memory_space<hbm>>
    %dma_start3A_250 = tpu.memref_squeeze %dma_start3A_249 : memref<1x300xf32, #tpu.memory_space<hbm>> -> memref<300xf32, #tpu.memory_space<hbm>>
    tpu.enqueue_dma source(%dma_start3A_250 : memref<300xf32, #tpu.memory_space<hbm>>) target(%dma_start3A_247 : memref<300xf32, #tpu.memory_space<vmem>>) target_semaphore(%arg7 : memref<!tpu.dma_semaphore, #tpu.memory_space<semaphore_mem>>)
    %eq3A_251 = arith.constant 10 : i32
    %eq3A_252 = vector.broadcast %eq3A_251 : i32 to vector<16xi32>
    %eq3A_253 = arith.cmpi eq, %iota3A, %eq3A_252 : vector<16xi32>
    %select_n3A_254 = arith.select %eq3A_253, %get3A_4, %broadcast_in_dim3A_3 : vector<16xi1>, vector<16xi32>
    %reduce_max3A_255 = arith.constant true
    %reduce_max3A_256 = vector.broadcast %reduce_max3A_255 : i1 to vector<16xi1>
    %reduce_max3A_257 = arith.constant -2147483648 : i32
    %reduce_max3A_258 = vector.broadcast %reduce_max3A_257 : i32 to vector<16xi32>
    %reduce_max3A_259 = arith.xori %select_n3A_254, %reduce_max3A_258 : vector<16xi32>
    %reduce_max3A_260 = tpu.scan <max>, %reduce_max3A_259 masked %reduce_max3A_256 : vector<16xi32>, vector<16xi1> -> vector<16xi32>
    %reduce_max3A_261 = arith.xori %reduce_max3A_260, %reduce_max3A_258 : vector<16xi32>
    %reduce_max3A_262 = vector.extract %reduce_max3A_261[15] : i32 from vector<16xi32>
    %dma_start3A_263 = arith.constant 10 : i32
    %dma_start3A_264 = arith.constant 0 : i32
    %dma_start3A_265 = tpu.memref_slice %arg6[%dma_start3A_263, %dma_start3A_264] : memref<32x300xf32, #tpu.memory_space<vmem>> -> memref<1x300xf32, #tpu.memory_space<vmem>>
    %dma_start3A_266 = tpu.memref_squeeze %dma_start3A_265 : memref<1x300xf32, #tpu.memory_space<vmem>> -> memref<300xf32, #tpu.memory_space<vmem>>
    %dma_start3A_267 = arith.constant 0 : i32
    %dma_start3A_268 = tpu.memref_slice %arg2[%reduce_max3A_262, %dma_start3A_267] : memref<100000x300xf32, #tpu.memory_space<hbm>> -> memref<1x300xf32, #tpu.memory_space<hbm>>
    %dma_start3A_269 = tpu.memref_squeeze %dma_start3A_268 : memref<1x300xf32, #tpu.memory_space<hbm>> -> memref<300xf32, #tpu.memory_space<hbm>>
    %dma_start3A_270 = arith.constant 0 : i32
    %dma_start3A_271 = tpu.memref_slice %arg6[%dma_start3A_263, %dma_start3A_270] : memref<32x300xf32, #tpu.memory_space<vmem>> -> memref<1x300xf32, #tpu.memory_space<vmem>>
    %dma_start3A_272 = tpu.memref_squeeze %dma_start3A_271 : memref<1x300xf32, #tpu.memory_space<vmem>> -> memref<300xf32, #tpu.memory_space<vmem>>
    %dma_start3A_273 = arith.constant 0 : i32
    %dma_start3A_274 = tpu.memref_slice %arg2[%reduce_max3A_262, %dma_start3A_273] : memref<100000x300xf32, #tpu.memory_space<hbm>> -> memref<1x300xf32, #tpu.memory_space<hbm>>
    %dma_start3A_275 = tpu.memref_squeeze %dma_start3A_274 : memref<1x300xf32, #tpu.memory_space<hbm>> -> memref<300xf32, #tpu.memory_space<hbm>>
    tpu.enqueue_dma source(%dma_start3A_275 : memref<300xf32, #tpu.memory_space<hbm>>) target(%dma_start3A_272 : memref<300xf32, #tpu.memory_space<vmem>>) target_semaphore(%arg7 : memref<!tpu.dma_semaphore, #tpu.memory_space<semaphore_mem>>)
    %eq3A_276 = arith.constant 11 : i32
    %eq3A_277 = vector.broadcast %eq3A_276 : i32 to vector<16xi32>
    %eq3A_278 = arith.cmpi eq, %iota3A, %eq3A_277 : vector<16xi32>
    %select_n3A_279 = arith.select %eq3A_278, %get3A_4, %broadcast_in_dim3A_3 : vector<16xi1>, vector<16xi32>
    %reduce_max3A_280 = arith.constant true
    %reduce_max3A_281 = vector.broadcast %reduce_max3A_280 : i1 to vector<16xi1>
    %reduce_max3A_282 = arith.constant -2147483648 : i32
    %reduce_max3A_283 = vector.broadcast %reduce_max3A_282 : i32 to vector<16xi32>
    %reduce_max3A_284 = arith.xori %select_n3A_279, %reduce_max3A_283 : vector<16xi32>
    %reduce_max3A_285 = tpu.scan <max>, %reduce_max3A_284 masked %reduce_max3A_281 : vector<16xi32>, vector<16xi1> -> vector<16xi32>
    %reduce_max3A_286 = arith.xori %reduce_max3A_285, %reduce_max3A_283 : vector<16xi32>
    %reduce_max3A_287 = vector.extract %reduce_max3A_286[15] : i32 from vector<16xi32>
    %dma_start3A_288 = arith.constant 11 : i32
    %dma_start3A_289 = arith.constant 0 : i32
    %dma_start3A_290 = tpu.memref_slice %arg6[%dma_start3A_288, %dma_start3A_289] : memref<32x300xf32, #tpu.memory_space<vmem>> -> memref<1x300xf32, #tpu.memory_space<vmem>>
    %dma_start3A_291 = tpu.memref_squeeze %dma_start3A_290 : memref<1x300xf32, #tpu.memory_space<vmem>> -> memref<300xf32, #tpu.memory_space<vmem>>
    %dma_start3A_292 = arith.constant 0 : i32
    %dma_start3A_293 = tpu.memref_slice %arg2[%reduce_max3A_287, %dma_start3A_292] : memref<100000x300xf32, #tpu.memory_space<hbm>> -> memref<1x300xf32, #tpu.memory_space<hbm>>
    %dma_start3A_294 = tpu.memref_squeeze %dma_start3A_293 : memref<1x300xf32, #tpu.memory_space<hbm>> -> memref<300xf32, #tpu.memory_space<hbm>>
    %dma_start3A_295 = arith.constant 0 : i32
    %dma_start3A_296 = tpu.memref_slice %arg6[%dma_start3A_288, %dma_start3A_295] : memref<32x300xf32, #tpu.memory_space<vmem>> -> memref<1x300xf32, #tpu.memory_space<vmem>>
    %dma_start3A_297 = tpu.memref_squeeze %dma_start3A_296 : memref<1x300xf32, #tpu.memory_space<vmem>> -> memref<300xf32, #tpu.memory_space<vmem>>
    %dma_start3A_298 = arith.constant 0 : i32
    %dma_start3A_299 = tpu.memref_slice %arg2[%reduce_max3A_287, %dma_start3A_298] : memref<100000x300xf32, #tpu.memory_space<hbm>> -> memref<1x300xf32, #tpu.memory_space<hbm>>
    %dma_start3A_300 = tpu.memref_squeeze %dma_start3A_299 : memref<1x300xf32, #tpu.memory_space<hbm>> -> memref<300xf32, #tpu.memory_space<hbm>>
    tpu.enqueue_dma source(%dma_start3A_300 : memref<300xf32, #tpu.memory_space<hbm>>) target(%dma_start3A_297 : memref<300xf32, #tpu.memory_space<vmem>>) target_semaphore(%arg7 : memref<!tpu.dma_semaphore, #tpu.memory_space<semaphore_mem>>)
    %eq3A_301 = arith.constant 12 : i32
    %eq3A_302 = vector.broadcast %eq3A_301 : i32 to vector<16xi32>
    %eq3A_303 = arith.cmpi eq, %iota3A, %eq3A_302 : vector<16xi32>
    %select_n3A_304 = arith.select %eq3A_303, %get3A_4, %broadcast_in_dim3A_3 : vector<16xi1>, vector<16xi32>
    %reduce_max3A_305 = arith.constant true
    %reduce_max3A_306 = vector.broadcast %reduce_max3A_305 : i1 to vector<16xi1>
    %reduce_max3A_307 = arith.constant -2147483648 : i32
    %reduce_max3A_308 = vector.broadcast %reduce_max3A_307 : i32 to vector<16xi32>
    %reduce_max3A_309 = arith.xori %select_n3A_304, %reduce_max3A_308 : vector<16xi32>
    %reduce_max3A_310 = tpu.scan <max>, %reduce_max3A_309 masked %reduce_max3A_306 : vector<16xi32>, vector<16xi1> -> vector<16xi32>
    %reduce_max3A_311 = arith.xori %reduce_max3A_310, %reduce_max3A_308 : vector<16xi32>
    %reduce_max3A_312 = vector.extract %reduce_max3A_311[15] : i32 from vector<16xi32>
    %dma_start3A_313 = arith.constant 12 : i32
    %dma_start3A_314 = arith.constant 0 : i32
    %dma_start3A_315 = tpu.memref_slice %arg6[%dma_start3A_313, %dma_start3A_314] : memref<32x300xf32, #tpu.memory_space<vmem>> -> memref<1x300xf32, #tpu.memory_space<vmem>>
    %dma_start3A_316 = tpu.memref_squeeze %dma_start3A_315 : memref<1x300xf32, #tpu.memory_space<vmem>> -> memref<300xf32, #tpu.memory_space<vmem>>
    %dma_start3A_317 = arith.constant 0 : i32
    %dma_start3A_318 = tpu.memref_slice %arg2[%reduce_max3A_312, %dma_start3A_317] : memref<100000x300xf32, #tpu.memory_space<hbm>> -> memref<1x300xf32, #tpu.memory_space<hbm>>
    %dma_start3A_319 = tpu.memref_squeeze %dma_start3A_318 : memref<1x300xf32, #tpu.memory_space<hbm>> -> memref<300xf32, #tpu.memory_space<hbm>>
    %dma_start3A_320 = arith.constant 0 : i32
    %dma_start3A_321 = tpu.memref_slice %arg6[%dma_start3A_313, %dma_start3A_320] : memref<32x300xf32, #tpu.memory_space<vmem>> -> memref<1x300xf32, #tpu.memory_space<vmem>>
    %dma_start3A_322 = tpu.memref_squeeze %dma_start3A_321 : memref<1x300xf32, #tpu.memory_space<vmem>> -> memref<300xf32, #tpu.memory_space<vmem>>
    %dma_start3A_323 = arith.constant 0 : i32
    %dma_start3A_324 = tpu.memref_slice %arg2[%reduce_max3A_312, %dma_start3A_323] : memref<100000x300xf32, #tpu.memory_space<hbm>> -> memref<1x300xf32, #tpu.memory_space<hbm>>
    %dma_start3A_325 = tpu.memref_squeeze %dma_start3A_324 : memref<1x300xf32, #tpu.memory_space<hbm>> -> memref<300xf32, #tpu.memory_space<hbm>>
    tpu.enqueue_dma source(%dma_start3A_325 : memref<300xf32, #tpu.memory_space<hbm>>) target(%dma_start3A_322 : memref<300xf32, #tpu.memory_space<vmem>>) target_semaphore(%arg7 : memref<!tpu.dma_semaphore, #tpu.memory_space<semaphore_mem>>)
    %eq3A_326 = arith.constant 13 : i32
    %eq3A_327 = vector.broadcast %eq3A_326 : i32 to vector<16xi32>
    %eq3A_328 = arith.cmpi eq, %iota3A, %eq3A_327 : vector<16xi32>
    %select_n3A_329 = arith.select %eq3A_328, %get3A_4, %broadcast_in_dim3A_3 : vector<16xi1>, vector<16xi32>
    %reduce_max3A_330 = arith.constant true
    %reduce_max3A_331 = vector.broadcast %reduce_max3A_330 : i1 to vector<16xi1>
    %reduce_max3A_332 = arith.constant -2147483648 : i32
    %reduce_max3A_333 = vector.broadcast %reduce_max3A_332 : i32 to vector<16xi32>
    %reduce_max3A_334 = arith.xori %select_n3A_329, %reduce_max3A_333 : vector<16xi32>
    %reduce_max3A_335 = tpu.scan <max>, %reduce_max3A_334 masked %reduce_max3A_331 : vector<16xi32>, vector<16xi1> -> vector<16xi32>
    %reduce_max3A_336 = arith.xori %reduce_max3A_335, %reduce_max3A_333 : vector<16xi32>
    %reduce_max3A_337 = vector.extract %reduce_max3A_336[15] : i32 from vector<16xi32>
    %dma_start3A_338 = arith.constant 13 : i32
    %dma_start3A_339 = arith.constant 0 : i32
    %dma_start3A_340 = tpu.memref_slice %arg6[%dma_start3A_338, %dma_start3A_339] : memref<32x300xf32, #tpu.memory_space<vmem>> -> memref<1x300xf32, #tpu.memory_space<vmem>>
    %dma_start3A_341 = tpu.memref_squeeze %dma_start3A_340 : memref<1x300xf32, #tpu.memory_space<vmem>> -> memref<300xf32, #tpu.memory_space<vmem>>
    %dma_start3A_342 = arith.constant 0 : i32
    %dma_start3A_343 = tpu.memref_slice %arg2[%reduce_max3A_337, %dma_start3A_342] : memref<100000x300xf32, #tpu.memory_space<hbm>> -> memref<1x300xf32, #tpu.memory_space<hbm>>
    %dma_start3A_344 = tpu.memref_squeeze %dma_start3A_343 : memref<1x300xf32, #tpu.memory_space<hbm>> -> memref<300xf32, #tpu.memory_space<hbm>>
    %dma_start3A_345 = arith.constant 0 : i32
    %dma_start3A_346 = tpu.memref_slice %arg6[%dma_start3A_338, %dma_start3A_345] : memref<32x300xf32, #tpu.memory_space<vmem>> -> memref<1x300xf32, #tpu.memory_space<vmem>>
    %dma_start3A_347 = tpu.memref_squeeze %dma_start3A_346 : memref<1x300xf32, #tpu.memory_space<vmem>> -> memref<300xf32, #tpu.memory_space<vmem>>
    %dma_start3A_348 = arith.constant 0 : i32
    %dma_start3A_349 = tpu.memref_slice %arg2[%reduce_max3A_337, %dma_start3A_348] : memref<100000x300xf32, #tpu.memory_space<hbm>> -> memref<1x300xf32, #tpu.memory_space<hbm>>
    %dma_start3A_350 = tpu.memref_squeeze %dma_start3A_349 : memref<1x300xf32, #tpu.memory_space<hbm>> -> memref<300xf32, #tpu.memory_space<hbm>>
    tpu.enqueue_dma source(%dma_start3A_350 : memref<300xf32, #tpu.memory_space<hbm>>) target(%dma_start3A_347 : memref<300xf32, #tpu.memory_space<vmem>>) target_semaphore(%arg7 : memref<!tpu.dma_semaphore, #tpu.memory_space<semaphore_mem>>)
    %eq3A_351 = arith.constant 14 : i32
    %eq3A_352 = vector.broadcast %eq3A_351 : i32 to vector<16xi32>
    %eq3A_353 = arith.cmpi eq, %iota3A, %eq3A_352 : vector<16xi32>
    %select_n3A_354 = arith.select %eq3A_353, %get3A_4, %broadcast_in_dim3A_3 : vector<16xi1>, vector<16xi32>
    %reduce_max3A_355 = arith.constant true
    %reduce_max3A_356 = vector.broadcast %reduce_max3A_355 : i1 to vector<16xi1>
    %reduce_max3A_357 = arith.constant -2147483648 : i32
    %reduce_max3A_358 = vector.broadcast %reduce_max3A_357 : i32 to vector<16xi32>
    %reduce_max3A_359 = arith.xori %select_n3A_354, %reduce_max3A_358 : vector<16xi32>
    %reduce_max3A_360 = tpu.scan <max>, %reduce_max3A_359 masked %reduce_max3A_356 : vector<16xi32>, vector<16xi1> -> vector<16xi32>
    %reduce_max3A_361 = arith.xori %reduce_max3A_360, %reduce_max3A_358 : vector<16xi32>
    %reduce_max3A_362 = vector.extract %reduce_max3A_361[15] : i32 from vector<16xi32>
    %dma_start3A_363 = arith.constant 14 : i32
    %dma_start3A_364 = arith.constant 0 : i32
    %dma_start3A_365 = tpu.memref_slice %arg6[%dma_start3A_363, %dma_start3A_364] : memref<32x300xf32, #tpu.memory_space<vmem>> -> memref<1x300xf32, #tpu.memory_space<vmem>>
    %dma_start3A_366 = tpu.memref_squeeze %dma_start3A_365 : memref<1x300xf32, #tpu.memory_space<vmem>> -> memref<300xf32, #tpu.memory_space<vmem>>
    %dma_start3A_367 = arith.constant 0 : i32
    %dma_start3A_368 = tpu.memref_slice %arg2[%reduce_max3A_362, %dma_start3A_367] : memref<100000x300xf32, #tpu.memory_space<hbm>> -> memref<1x300xf32, #tpu.memory_space<hbm>>
    %dma_start3A_369 = tpu.memref_squeeze %dma_start3A_368 : memref<1x300xf32, #tpu.memory_space<hbm>> -> memref<300xf32, #tpu.memory_space<hbm>>
    %dma_start3A_370 = arith.constant 0 : i32
    %dma_start3A_371 = tpu.memref_slice %arg6[%dma_start3A_363, %dma_start3A_370] : memref<32x300xf32, #tpu.memory_space<vmem>> -> memref<1x300xf32, #tpu.memory_space<vmem>>
    %dma_start3A_372 = tpu.memref_squeeze %dma_start3A_371 : memref<1x300xf32, #tpu.memory_space<vmem>> -> memref<300xf32, #tpu.memory_space<vmem>>
    %dma_start3A_373 = arith.constant 0 : i32
    %dma_start3A_374 = tpu.memref_slice %arg2[%reduce_max3A_362, %dma_start3A_373] : memref<100000x300xf32, #tpu.memory_space<hbm>> -> memref<1x300xf32, #tpu.memory_space<hbm>>
    %dma_start3A_375 = tpu.memref_squeeze %dma_start3A_374 : memref<1x300xf32, #tpu.memory_space<hbm>> -> memref<300xf32, #tpu.memory_space<hbm>>
    tpu.enqueue_dma source(%dma_start3A_375 : memref<300xf32, #tpu.memory_space<hbm>>) target(%dma_start3A_372 : memref<300xf32, #tpu.memory_space<vmem>>) target_semaphore(%arg7 : memref<!tpu.dma_semaphore, #tpu.memory_space<semaphore_mem>>)
    %eq3A_376 = arith.constant 15 : i32
    %eq3A_377 = vector.broadcast %eq3A_376 : i32 to vector<16xi32>
    %eq3A_378 = arith.cmpi eq, %iota3A, %eq3A_377 : vector<16xi32>
    %select_n3A_379 = arith.select %eq3A_378, %get3A_4, %broadcast_in_dim3A_3 : vector<16xi1>, vector<16xi32>
    %reduce_max3A_380 = arith.constant true
    %reduce_max3A_381 = vector.broadcast %reduce_max3A_380 : i1 to vector<16xi1>
    %reduce_max3A_382 = arith.constant -2147483648 : i32
    %reduce_max3A_383 = vector.broadcast %reduce_max3A_382 : i32 to vector<16xi32>
    %reduce_max3A_384 = arith.xori %select_n3A_379, %reduce_max3A_383 : vector<16xi32>
    %reduce_max3A_385 = tpu.scan <max>, %reduce_max3A_384 masked %reduce_max3A_381 : vector<16xi32>, vector<16xi1> -> vector<16xi32>
    %reduce_max3A_386 = arith.xori %reduce_max3A_385, %reduce_max3A_383 : vector<16xi32>
    %reduce_max3A_387 = vector.extract %reduce_max3A_386[15] : i32 from vector<16xi32>
    %dma_start3A_388 = arith.constant 15 : i32
    %dma_start3A_389 = arith.constant 0 : i32
    %dma_start3A_390 = tpu.memref_slice %arg6[%dma_start3A_388, %dma_start3A_389] : memref<32x300xf32, #tpu.memory_space<vmem>> -> memref<1x300xf32, #tpu.memory_space<vmem>>
    %dma_start3A_391 = tpu.memref_squeeze %dma_start3A_390 : memref<1x300xf32, #tpu.memory_space<vmem>> -> memref<300xf32, #tpu.memory_space<vmem>>
    %dma_start3A_392 = arith.constant 0 : i32
    %dma_start3A_393 = tpu.memref_slice %arg2[%reduce_max3A_387, %dma_start3A_392] : memref<100000x300xf32, #tpu.memory_space<hbm>> -> memref<1x300xf32, #tpu.memory_space<hbm>>
    %dma_start3A_394 = tpu.memref_squeeze %dma_start3A_393 : memref<1x300xf32, #tpu.memory_space<hbm>> -> memref<300xf32, #tpu.memory_space<hbm>>
    %dma_start3A_395 = arith.constant 0 : i32
    %dma_start3A_396 = tpu.memref_slice %arg6[%dma_start3A_388, %dma_start3A_395] : memref<32x300xf32, #tpu.memory_space<vmem>> -> memref<1x300xf32, #tpu.memory_space<vmem>>
    %dma_start3A_397 = tpu.memref_squeeze %dma_start3A_396 : memref<1x300xf32, #tpu.memory_space<vmem>> -> memref<300xf32, #tpu.memory_space<vmem>>
    %dma_start3A_398 = arith.constant 0 : i32
    %dma_start3A_399 = tpu.memref_slice %arg2[%reduce_max3A_387, %dma_start3A_398] : memref<100000x300xf32, #tpu.memory_space<hbm>> -> memref<1x300xf32, #tpu.memory_space<hbm>>
    %dma_start3A_400 = tpu.memref_squeeze %dma_start3A_399 : memref<1x300xf32, #tpu.memory_space<hbm>> -> memref<300xf32, #tpu.memory_space<hbm>>
    tpu.enqueue_dma source(%dma_start3A_400 : memref<300xf32, #tpu.memory_space<hbm>>) target(%dma_start3A_397 : memref<300xf32, #tpu.memory_space<vmem>>) target_semaphore(%arg7 : memref<!tpu.dma_semaphore, #tpu.memory_space<semaphore_mem>>)
    %get3A_401 = arith.constant 16 : index
    %get3A_402 = tpu.vector_load %arg5[%get3A_401] {strides = array<i32>} : memref<32xi32, #tpu.memory_space<vmem>>, vector<16xi32>,
    %eq3A_403 = arith.constant 0 : i32
    %eq3A_404 = vector.broadcast %eq3A_403 : i32 to vector<16xi32>
    %eq3A_405 = arith.cmpi eq, %iota3A, %eq3A_404 : vector<16xi32>
    %select_n3A_406 = arith.select %eq3A_405, %get3A_402, %broadcast_in_dim3A_3 : vector<16xi1>, vector<16xi32>
    %reduce_max3A_407 = arith.constant true
    %reduce_max3A_408 = vector.broadcast %reduce_max3A_407 : i1 to vector<16xi1>
    %reduce_max3A_409 = arith.constant -2147483648 : i32
    %reduce_max3A_410 = vector.broadcast %reduce_max3A_409 : i32 to vector<16xi32>
    %reduce_max3A_411 = arith.xori %select_n3A_406, %reduce_max3A_410 : vector<16xi32>
    %reduce_max3A_412 = tpu.scan <max>, %reduce_max3A_411 masked %reduce_max3A_408 : vector<16xi32>, vector<16xi1> -> vector<16xi32>
    %reduce_max3A_413 = arith.xori %reduce_max3A_412, %reduce_max3A_410 : vector<16xi32>
    %reduce_max3A_414 = vector.extract %reduce_max3A_413[15] : i32 from vector<16xi32>
    %dma_start3A_415 = arith.constant 16 : i32
    %dma_start3A_416 = arith.constant 0 : i32
    %dma_start3A_417 = tpu.memref_slice %arg6[%dma_start3A_415, %dma_start3A_416] : memref<32x300xf32, #tpu.memory_space<vmem>> -> memref<1x300xf32, #tpu.memory_space<vmem>>
    %dma_start3A_418 = tpu.memref_squeeze %dma_start3A_417 : memref<1x300xf32, #tpu.memory_space<vmem>> -> memref<300xf32, #tpu.memory_space<vmem>>
    %dma_start3A_419 = arith.constant 0 : i32
    %dma_start3A_420 = tpu.memref_slice %arg2[%reduce_max3A_414, %dma_start3A_419] : memref<100000x300xf32, #tpu.memory_space<hbm>> -> memref<1x300xf32, #tpu.memory_space<hbm>>
    %dma_start3A_421 = tpu.memref_squeeze %dma_start3A_420 : memref<1x300xf32, #tpu.memory_space<hbm>> -> memref<300xf32, #tpu.memory_space<hbm>>
    %dma_start3A_422 = arith.constant 0 : i32
    %dma_start3A_423 = tpu.memref_slice %arg6[%dma_start3A_415, %dma_start3A_422] : memref<32x300xf32, #tpu.memory_space<vmem>> -> memref<1x300xf32, #tpu.memory_space<vmem>>
    %dma_start3A_424 = tpu.memref_squeeze %dma_start3A_423 : memref<1x300xf32, #tpu.memory_space<vmem>> -> memref<300xf32, #tpu.memory_space<vmem>>
    %dma_start3A_425 = arith.constant 0 : i32
    %dma_start3A_426 = tpu.memref_slice %arg2[%reduce_max3A_414, %dma_start3A_425] : memref<100000x300xf32, #tpu.memory_space<hbm>> -> memref<1x300xf32, #tpu.memory_space<hbm>>
    %dma_start3A_427 = tpu.memref_squeeze %dma_start3A_426 : memref<1x300xf32, #tpu.memory_space<hbm>> -> memref<300xf32, #tpu.memory_space<hbm>>
    tpu.enqueue_dma source(%dma_start3A_427 : memref<300xf32, #tpu.memory_space<hbm>>) target(%dma_start3A_424 : memref<300xf32, #tpu.memory_space<vmem>>) target_semaphore(%arg7 : memref<!tpu.dma_semaphore, #tpu.memory_space<semaphore_mem>>)
    %eq3A_428 = arith.constant 1 : i32
    %eq3A_429 = vector.broadcast %eq3A_428 : i32 to vector<16xi32>
    %eq3A_430 = arith.cmpi eq, %iota3A, %eq3A_429 : vector<16xi32>
    %select_n3A_431 = arith.select %eq3A_430, %get3A_402, %broadcast_in_dim3A_3 : vector<16xi1>, vector<16xi32>
    %reduce_max3A_432 = arith.constant true
    %reduce_max3A_433 = vector.broadcast %reduce_max3A_432 : i1 to vector<16xi1>
    %reduce_max3A_434 = arith.constant -2147483648 : i32
    %reduce_max3A_435 = vector.broadcast %reduce_max3A_434 : i32 to vector<16xi32>
    %reduce_max3A_436 = arith.xori %select_n3A_431, %reduce_max3A_435 : vector<16xi32>
    %reduce_max3A_437 = tpu.scan <max>, %reduce_max3A_436 masked %reduce_max3A_433 : vector<16xi32>, vector<16xi1> -> vector<16xi32>
    %reduce_max3A_438 = arith.xori %reduce_max3A_437, %reduce_max3A_435 : vector<16xi32>
    %reduce_max3A_439 = vector.extract %reduce_max3A_438[15] : i32 from vector<16xi32>
    %dma_start3A_440 = arith.constant 17 : i32
    %dma_start3A_441 = arith.constant 0 : i32
    %dma_start3A_442 = tpu.memref_slice %arg6[%dma_start3A_440, %dma_start3A_441] : memref<32x300xf32, #tpu.memory_space<vmem>> -> memref<1x300xf32, #tpu.memory_space<vmem>>
    %dma_start3A_443 = tpu.memref_squeeze %dma_start3A_442 : memref<1x300xf32, #tpu.memory_space<vmem>> -> memref<300xf32, #tpu.memory_space<vmem>>
    %dma_start3A_444 = arith.constant 0 : i32
    %dma_start3A_445 = tpu.memref_slice %arg2[%reduce_max3A_439, %dma_start3A_444] : memref<100000x300xf32, #tpu.memory_space<hbm>> -> memref<1x300xf32, #tpu.memory_space<hbm>>
    %dma_start3A_446 = tpu.memref_squeeze %dma_start3A_445 : memref<1x300xf32, #tpu.memory_space<hbm>> -> memref<300xf32, #tpu.memory_space<hbm>>
    %dma_start3A_447 = arith.constant 0 : i32
    %dma_start3A_448 = tpu.memref_slice %arg6[%dma_start3A_440, %dma_start3A_447] : memref<32x300xf32, #tpu.memory_space<vmem>> -> memref<1x300xf32, #tpu.memory_space<vmem>>
    %dma_start3A_449 = tpu.memref_squeeze %dma_start3A_448 : memref<1x300xf32, #tpu.memory_space<vmem>> -> memref<300xf32, #tpu.memory_space<vmem>>
    %dma_start3A_450 = arith.constant 0 : i32
    %dma_start3A_451 = tpu.memref_slice %arg2[%reduce_max3A_439, %dma_start3A_450] : memref<100000x300xf32, #tpu.memory_space<hbm>> -> memref<1x300xf32, #tpu.memory_space<hbm>>
    %dma_start3A_452 = tpu.memref_squeeze %dma_start3A_451 : memref<1x300xf32, #tpu.memory_space<hbm>> -> memref<300xf32, #tpu.memory_space<hbm>>
    tpu.enqueue_dma source(%dma_start3A_452 : memref<300xf32, #tpu.memory_space<hbm>>) target(%dma_start3A_449 : memref<300xf32, #tpu.memory_space<vmem>>) target_semaphore(%arg7 : memref<!tpu.dma_semaphore, #tpu.memory_space<semaphore_mem>>)
    %eq3A_453 = arith.constant 2 : i32
    %eq3A_454 = vector.broadcast %eq3A_453 : i32 to vector<16xi32>
    %eq3A_455 = arith.cmpi eq, %iota3A, %eq3A_454 : vector<16xi32>
    %select_n3A_456 = arith.select %eq3A_455, %get3A_402, %broadcast_in_dim3A_3 : vector<16xi1>, vector<16xi32>
    %reduce_max3A_457 = arith.constant true
    %reduce_max3A_458 = vector.broadcast %reduce_max3A_457 : i1 to vector<16xi1>
    %reduce_max3A_459 = arith.constant -2147483648 : i32
    %reduce_max3A_460 = vector.broadcast %reduce_max3A_459 : i32 to vector<16xi32>
    %reduce_max3A_461 = arith.xori %select_n3A_456, %reduce_max3A_460 : vector<16xi32>
    %reduce_max3A_462 = tpu.scan <max>, %reduce_max3A_461 masked %reduce_max3A_458 : vector<16xi32>, vector<16xi1> -> vector<16xi32>
    %reduce_max3A_463 = arith.xori %reduce_max3A_462, %reduce_max3A_460 : vector<16xi32>
    %reduce_max3A_464 = vector.extract %reduce_max3A_463[15] : i32 from vector<16xi32>
    %dma_start3A_465 = arith.constant 18 : i32
    %dma_start3A_466 = arith.constant 0 : i32
    %dma_start3A_467 = tpu.memref_slice %arg6[%dma_start3A_465, %dma_start3A_466] : memref<32x300xf32, #tpu.memory_space<vmem>> -> memref<1x300xf32, #tpu.memory_space<vmem>>
    %dma_start3A_468 = tpu.memref_squeeze %dma_start3A_467 : memref<1x300xf32, #tpu.memory_space<vmem>> -> memref<300xf32, #tpu.memory_space<vmem>>
    %dma_start3A_469 = arith.constant 0 : i32
    %dma_start3A_470 = tpu.memref_slice %arg2[%reduce_max3A_464, %dma_start3A_469] : memref<100000x300xf32, #tpu.memory_space<hbm>> -> memref<1x300xf32, #tpu.memory_space<hbm>>
    %dma_start3A_471 = tpu.memref_squeeze %dma_start3A_470 : memref<1x300xf32, #tpu.memory_space<hbm>> -> memref<300xf32, #tpu.memory_space<hbm>>
    %dma_start3A_472 = arith.constant 0 : i32
    %dma_start3A_473 = tpu.memref_slice %arg6[%dma_start3A_465, %dma_start3A_472] : memref<32x300xf32, #tpu.memory_space<vmem>> -> memref<1x300xf32, #tpu.memory_space<vmem>>
    %dma_start3A_474 = tpu.memref_squeeze %dma_start3A_473 : memref<1x300xf32, #tpu.memory_space<vmem>> -> memref<300xf32, #tpu.memory_space<vmem>>
    %dma_start3A_475 = arith.constant 0 : i32
    %dma_start3A_476 = tpu.memref_slice %arg2[%reduce_max3A_464, %dma_start3A_475] : memref<100000x300xf32, #tpu.memory_space<hbm>> -> memref<1x300xf32, #tpu.memory_space<hbm>>
    %dma_start3A_477 = tpu.memref_squeeze %dma_start3A_476 : memref<1x300xf32, #tpu.memory_space<hbm>> -> memref<300xf32, #tpu.memory_space<hbm>>
    tpu.enqueue_dma source(%dma_start3A_477 : memref<300xf32, #tpu.memory_space<hbm>>) target(%dma_start3A_474 : memref<300xf32, #tpu.memory_space<vmem>>) target_semaphore(%arg7 : memref<!tpu.dma_semaphore, #tpu.memory_space<semaphore_mem>>)
    %eq3A_478 = arith.constant 3 : i32
    %eq3A_479 = vector.broadcast %eq3A_478 : i32 to vector<16xi32>
    %eq3A_480 = arith.cmpi eq, %iota3A, %eq3A_479 : vector<16xi32>
    %select_n3A_481 = arith.select %eq3A_480, %get3A_402, %broadcast_in_dim3A_3 : vector<16xi1>, vector<16xi32>
    %reduce_max3A_482 = arith.constant true
    %reduce_max3A_483 = vector.broadcast %reduce_max3A_482 : i1 to vector<16xi1>
    %reduce_max3A_484 = arith.constant -2147483648 : i32
    %reduce_max3A_485 = vector.broadcast %reduce_max3A_484 : i32 to vector<16xi32>
    %reduce_max3A_486 = arith.xori %select_n3A_481, %reduce_max3A_485 : vector<16xi32>
    %reduce_max3A_487 = tpu.scan <max>, %reduce_max3A_486 masked %reduce_max3A_483 : vector<16xi32>, vector<16xi1> -> vector<16xi32>
    %reduce_max3A_488 = arith.xori %reduce_max3A_487, %reduce_max3A_485 : vector<16xi32>
    %reduce_max3A_489 = vector.extract %reduce_max3A_488[15] : i32 from vector<16xi32>
    %dma_start3A_490 = arith.constant 19 : i32
    %dma_start3A_491 = arith.constant 0 : i32
    %dma_start3A_492 = tpu.memref_slice %arg6[%dma_start3A_490, %dma_start3A_491] : memref<32x300xf32, #tpu.memory_space<vmem>> -> memref<1x300xf32, #tpu.memory_space<vmem>>
    %dma_start3A_493 = tpu.memref_squeeze %dma_start3A_492 : memref<1x300xf32, #tpu.memory_space<vmem>> -> memref<300xf32, #tpu.memory_space<vmem>>
    %dma_start3A_494 = arith.constant 0 : i32
    %dma_start3A_495 = tpu.memref_slice %arg2[%reduce_max3A_489, %dma_start3A_494] : memref<100000x300xf32, #tpu.memory_space<hbm>> -> memref<1x300xf32, #tpu.memory_space<hbm>>
    %dma_start3A_496 = tpu.memref_squeeze %dma_start3A_495 : memref<1x300xf32, #tpu.memory_space<hbm>> -> memref<300xf32, #tpu.memory_space<hbm>>
    %dma_start3A_497 = arith.constant 0 : i32
    %dma_start3A_498 = tpu.memref_slice %arg6[%dma_start3A_490, %dma_start3A_497] : memref<32x300xf32, #tpu.memory_space<vmem>> -> memref<1x300xf32, #tpu.memory_space<vmem>>
    %dma_start3A_499 = tpu.memref_squeeze %dma_start3A_498 : memref<1x300xf32, #tpu.memory_space<vmem>> -> memref<300xf32, #tpu.memory_space<vmem>>
    %dma_start3A_500 = arith.constant 0 : i32
    %dma_start3A_501 = tpu.memref_slice %arg2[%reduce_max3A_489, %dma_start3A_500] : memref<100000x300xf32, #tpu.memory_space<hbm>> -> memref<1x300xf32, #tpu.memory_space<hbm>>
    %dma_start3A_502 = tpu.memref_squeeze %dma_start3A_501 : memref<1x300xf32, #tpu.memory_space<hbm>> -> memref<300xf32, #tpu.memory_space<hbm>>
    tpu.enqueue_dma source(%dma_start3A_502 : memref<300xf32, #tpu.memory_space<hbm>>) target(%dma_start3A_499 : memref<300xf32, #tpu.memory_space<vmem>>) target_semaphore(%arg7 : memref<!tpu.dma_semaphore, #tpu.memory_space<semaphore_mem>>)
    %eq3A_503 = arith.constant 4 : i32
    %eq3A_504 = vector.broadcast %eq3A_503 : i32 to vector<16xi32>
    %eq3A_505 = arith.cmpi eq, %iota3A, %eq3A_504 : vector<16xi32>
    %select_n3A_506 = arith.select %eq3A_505, %get3A_402, %broadcast_in_dim3A_3 : vector<16xi1>, vector<16xi32>
    %reduce_max3A_507 = arith.constant true
    %reduce_max3A_508 = vector.broadcast %reduce_max3A_507 : i1 to vector<16xi1>
    %reduce_max3A_509 = arith.constant -2147483648 : i32
    %reduce_max3A_510 = vector.broadcast %reduce_max3A_509 : i32 to vector<16xi32>
    %reduce_max3A_511 = arith.xori %select_n3A_506, %reduce_max3A_510 : vector<16xi32>
    %reduce_max3A_512 = tpu.scan <max>, %reduce_max3A_511 masked %reduce_max3A_508 : vector<16xi32>, vector<16xi1> -> vector<16xi32>
    %reduce_max3A_513 = arith.xori %reduce_max3A_512, %reduce_max3A_510 : vector<16xi32>
    %reduce_max3A_514 = vector.extract %reduce_max3A_513[15] : i32 from vector<16xi32>
    %dma_start3A_515 = arith.constant 20 : i32
    %dma_start3A_516 = arith.constant 0 : i32
    %dma_start3A_517 = tpu.memref_slice %arg6[%dma_start3A_515, %dma_start3A_516] : memref<32x300xf32, #tpu.memory_space<vmem>> -> memref<1x300xf32, #tpu.memory_space<vmem>>
    %dma_start3A_518 = tpu.memref_squeeze %dma_start3A_517 : memref<1x300xf32, #tpu.memory_space<vmem>> -> memref<300xf32, #tpu.memory_space<vmem>>
    %dma_start3A_519 = arith.constant 0 : i32
    %dma_start3A_520 = tpu.memref_slice %arg2[%reduce_max3A_514, %dma_start3A_519] : memref<100000x300xf32, #tpu.memory_space<hbm>> -> memref<1x300xf32, #tpu.memory_space<hbm>>
    %dma_start3A_521 = tpu.memref_squeeze %dma_start3A_520 : memref<1x300xf32, #tpu.memory_space<hbm>> -> memref<300xf32, #tpu.memory_space<hbm>>
    %dma_start3A_522 = arith.constant 0 : i32
    %dma_start3A_523 = tpu.memref_slice %arg6[%dma_start3A_515, %dma_start3A_522] : memref<32x300xf32, #tpu.memory_space<vmem>> -> memref<1x300xf32, #tpu.memory_space<vmem>>
    %dma_start3A_524 = tpu.memref_squeeze %dma_start3A_523 : memref<1x300xf32, #tpu.memory_space<vmem>> -> memref<300xf32, #tpu.memory_space<vmem>>
    %dma_start3A_525 = arith.constant 0 : i32
    %dma_start3A_526 = tpu.memref_slice %arg2[%reduce_max3A_514, %dma_start3A_525] : memref<100000x300xf32, #tpu.memory_space<hbm>> -> memref<1x300xf32, #tpu.memory_space<hbm>>
    %dma_start3A_527 = tpu.memref_squeeze %dma_start3A_526 : memref<1x300xf32, #tpu.memory_space<hbm>> -> memref<300xf32, #tpu.memory_space<hbm>>
    tpu.enqueue_dma source(%dma_start3A_527 : memref<300xf32, #tpu.memory_space<hbm>>) target(%dma_start3A_524 : memref<300xf32, #tpu.memory_space<vmem>>) target_semaphore(%arg7 : memref<!tpu.dma_semaphore, #tpu.memory_space<semaphore_mem>>)
    %eq3A_528 = arith.constant 5 : i32
    %eq3A_529 = vector.broadcast %eq3A_528 : i32 to vector<16xi32>
    %eq3A_530 = arith.cmpi eq, %iota3A, %eq3A_529 : vector<16xi32>
    %select_n3A_531 = arith.select %eq3A_530, %get3A_402, %broadcast_in_dim3A_3 : vector<16xi1>, vector<16xi32>
    %reduce_max3A_532 = arith.constant true
    %reduce_max3A_533 = vector.broadcast %reduce_max3A_532 : i1 to vector<16xi1>
    %reduce_max3A_534 = arith.constant -2147483648 : i32
    %reduce_max3A_535 = vector.broadcast %reduce_max3A_534 : i32 to vector<16xi32>
    %reduce_max3A_536 = arith.xori %select_n3A_531, %reduce_max3A_535 : vector<16xi32>
    %reduce_max3A_537 = tpu.scan <max>, %reduce_max3A_536 masked %reduce_max3A_533 : vector<16xi32>, vector<16xi1> -> vector<16xi32>
    %reduce_max3A_538 = arith.xori %reduce_max3A_537, %reduce_max3A_535 : vector<16xi32>
    %reduce_max3A_539 = vector.extract %reduce_max3A_538[15] : i32 from vector<16xi32>
    %dma_start3A_540 = arith.constant 21 : i32
    %dma_start3A_541 = arith.constant 0 : i32
    %dma_start3A_542 = tpu.memref_slice %arg6[%dma_start3A_540, %dma_start3A_541] : memref<32x300xf32, #tpu.memory_space<vmem>> -> memref<1x300xf32, #tpu.memory_space<vmem>>
    %dma_start3A_543 = tpu.memref_squeeze %dma_start3A_542 : memref<1x300xf32, #tpu.memory_space<vmem>> -> memref<300xf32, #tpu.memory_space<vmem>>
    %dma_start3A_544 = arith.constant 0 : i32
    %dma_start3A_545 = tpu.memref_slice %arg2[%reduce_max3A_539, %dma_start3A_544] : memref<100000x300xf32, #tpu.memory_space<hbm>> -> memref<1x300xf32, #tpu.memory_space<hbm>>
    %dma_start3A_546 = tpu.memref_squeeze %dma_start3A_545 : memref<1x300xf32, #tpu.memory_space<hbm>> -> memref<300xf32, #tpu.memory_space<hbm>>
    %dma_start3A_547 = arith.constant 0 : i32
    %dma_start3A_548 = tpu.memref_slice %arg6[%dma_start3A_540, %dma_start3A_547] : memref<32x300xf32, #tpu.memory_space<vmem>> -> memref<1x300xf32, #tpu.memory_space<vmem>>
    %dma_start3A_549 = tpu.memref_squeeze %dma_start3A_548 : memref<1x300xf32, #tpu.memory_space<vmem>> -> memref<300xf32, #tpu.memory_space<vmem>>
    %dma_start3A_550 = arith.constant 0 : i32
    %dma_start3A_551 = tpu.memref_slice %arg2[%reduce_max3A_539, %dma_start3A_550] : memref<100000x300xf32, #tpu.memory_space<hbm>> -> memref<1x300xf32, #tpu.memory_space<hbm>>
    %dma_start3A_552 = tpu.memref_squeeze %dma_start3A_551 : memref<1x300xf32, #tpu.memory_space<hbm>> -> memref<300xf32, #tpu.memory_space<hbm>>
    tpu.enqueue_dma source(%dma_start3A_552 : memref<300xf32, #tpu.memory_space<hbm>>) target(%dma_start3A_549 : memref<300xf32, #tpu.memory_space<vmem>>) target_semaphore(%arg7 : memref<!tpu.dma_semaphore, #tpu.memory_space<semaphore_mem>>)
    %eq3A_553 = arith.constant 6 : i32
    %eq3A_554 = vector.broadcast %eq3A_553 : i32 to vector<16xi32>
    %eq3A_555 = arith.cmpi eq, %iota3A, %eq3A_554 : vector<16xi32>
    %select_n3A_556 = arith.select %eq3A_555, %get3A_402, %broadcast_in_dim3A_3 : vector<16xi1>, vector<16xi32>
    %reduce_max3A_557 = arith.constant true
    %reduce_max3A_558 = vector.broadcast %reduce_max3A_557 : i1 to vector<16xi1>
    %reduce_max3A_559 = arith.constant -2147483648 : i32
    %reduce_max3A_560 = vector.broadcast %reduce_max3A_559 : i32 to vector<16xi32>
    %reduce_max3A_561 = arith.xori %select_n3A_556, %reduce_max3A_560 : vector<16xi32>
    %reduce_max3A_562 = tpu.scan <max>, %reduce_max3A_561 masked %reduce_max3A_558 : vector<16xi32>, vector<16xi1> -> vector<16xi32>
    %reduce_max3A_563 = arith.xori %reduce_max3A_562, %reduce_max3A_560 : vector<16xi32>
    %reduce_max3A_564 = vector.extract %reduce_max3A_563[15] : i32 from vector<16xi32>
    %dma_start3A_565 = arith.constant 22 : i32
    %dma_start3A_566 = arith.constant 0 : i32
    %dma_start3A_567 = tpu.memref_slice %arg6[%dma_start3A_565, %dma_start3A_566] : memref<32x300xf32, #tpu.memory_space<vmem>> -> memref<1x300xf32, #tpu.memory_space<vmem>>
    %dma_start3A_568 = tpu.memref_squeeze %dma_start3A_567 : memref<1x300xf32, #tpu.memory_space<vmem>> -> memref<300xf32, #tpu.memory_space<vmem>>
    %dma_start3A_569 = arith.constant 0 : i32
    %dma_start3A_570 = tpu.memref_slice %arg2[%reduce_max3A_564, %dma_start3A_569] : memref<100000x300xf32, #tpu.memory_space<hbm>> -> memref<1x300xf32, #tpu.memory_space<hbm>>
    %dma_start3A_571 = tpu.memref_squeeze %dma_start3A_570 : memref<1x300xf32, #tpu.memory_space<hbm>> -> memref<300xf32, #tpu.memory_space<hbm>>
    %dma_start3A_572 = arith.constant 0 : i32
    %dma_start3A_573 = tpu.memref_slice %arg6[%dma_start3A_565, %dma_start3A_572] : memref<32x300xf32, #tpu.memory_space<vmem>> -> memref<1x300xf32, #tpu.memory_space<vmem>>
    %dma_start3A_574 = tpu.memref_squeeze %dma_start3A_573 : memref<1x300xf32, #tpu.memory_space<vmem>> -> memref<300xf32, #tpu.memory_space<vmem>>
    %dma_start3A_575 = arith.constant 0 : i32
    %dma_start3A_576 = tpu.memref_slice %arg2[%reduce_max3A_564, %dma_start3A_575] : memref<100000x300xf32, #tpu.memory_space<hbm>> -> memref<1x300xf32, #tpu.memory_space<hbm>>
    %dma_start3A_577 = tpu.memref_squeeze %dma_start3A_576 : memref<1x300xf32, #tpu.memory_space<hbm>> -> memref<300xf32, #tpu.memory_space<hbm>>
    tpu.enqueue_dma source(%dma_start3A_577 : memref<300xf32, #tpu.memory_space<hbm>>) target(%dma_start3A_574 : memref<300xf32, #tpu.memory_space<vmem>>) target_semaphore(%arg7 : memref<!tpu.dma_semaphore, #tpu.memory_space<semaphore_mem>>)
    %eq3A_578 = arith.constant 7 : i32
    %eq3A_579 = vector.broadcast %eq3A_578 : i32 to vector<16xi32>
    %eq3A_580 = arith.cmpi eq, %iota3A, %eq3A_579 : vector<16xi32>
    %select_n3A_581 = arith.select %eq3A_580, %get3A_402, %broadcast_in_dim3A_3 : vector<16xi1>, vector<16xi32>
    %reduce_max3A_582 = arith.constant true
    %reduce_max3A_583 = vector.broadcast %reduce_max3A_582 : i1 to vector<16xi1>
    %reduce_max3A_584 = arith.constant -2147483648 : i32
    %reduce_max3A_585 = vector.broadcast %reduce_max3A_584 : i32 to vector<16xi32>
    %reduce_max3A_586 = arith.xori %select_n3A_581, %reduce_max3A_585 : vector<16xi32>
    %reduce_max3A_587 = tpu.scan <max>, %reduce_max3A_586 masked %reduce_max3A_583 : vector<16xi32>, vector<16xi1> -> vector<16xi32>
    %reduce_max3A_588 = arith.xori %reduce_max3A_587, %reduce_max3A_585 : vector<16xi32>
    %reduce_max3A_589 = vector.extract %reduce_max3A_588[15] : i32 from vector<16xi32>
    %dma_start3A_590 = arith.constant 23 : i32
    %dma_start3A_591 = arith.constant 0 : i32
    %dma_start3A_592 = tpu.memref_slice %arg6[%dma_start3A_590, %dma_start3A_591] : memref<32x300xf32, #tpu.memory_space<vmem>> -> memref<1x300xf32, #tpu.memory_space<vmem>>
    %dma_start3A_593 = tpu.memref_squeeze %dma_start3A_592 : memref<1x300xf32, #tpu.memory_space<vmem>> -> memref<300xf32, #tpu.memory_space<vmem>>
    %dma_start3A_594 = arith.constant 0 : i32
    %dma_start3A_595 = tpu.memref_slice %arg2[%reduce_max3A_589, %dma_start3A_594] : memref<100000x300xf32, #tpu.memory_space<hbm>> -> memref<1x300xf32, #tpu.memory_space<hbm>>
    %dma_start3A_596 = tpu.memref_squeeze %dma_start3A_595 : memref<1x300xf32, #tpu.memory_space<hbm>> -> memref<300xf32, #tpu.memory_space<hbm>>
    %dma_start3A_597 = arith.constant 0 : i32
    %dma_start3A_598 = tpu.memref_slice %arg6[%dma_start3A_590, %dma_start3A_597] : memref<32x300xf32, #tpu.memory_space<vmem>> -> memref<1x300xf32, #tpu.memory_space<vmem>>
    %dma_start3A_599 = tpu.memref_squeeze %dma_start3A_598 : memref<1x300xf32, #tpu.memory_space<vmem>> -> memref<300xf32, #tpu.memory_space<vmem>>
    %dma_start3A_600 = arith.constant 0 : i32
    %dma_start3A_601 = tpu.memref_slice %arg2[%reduce_max3A_589, %dma_start3A_600] : memref<100000x300xf32, #tpu.memory_space<hbm>> -> memref<1x300xf32, #tpu.memory_space<hbm>>
    %dma_start3A_602 = tpu.memref_squeeze %dma_start3A_601 : memref<1x300xf32, #tpu.memory_space<hbm>> -> memref<300xf32, #tpu.memory_space<hbm>>
    tpu.enqueue_dma source(%dma_start3A_602 : memref<300xf32, #tpu.memory_space<hbm>>) target(%dma_start3A_599 : memref<300xf32, #tpu.memory_space<vmem>>) target_semaphore(%arg7 : memref<!tpu.dma_semaphore, #tpu.memory_space<semaphore_mem>>)
    %eq3A_603 = arith.constant 8 : i32
    %eq3A_604 = vector.broadcast %eq3A_603 : i32 to vector<16xi32>
    %eq3A_605 = arith.cmpi eq, %iota3A, %eq3A_604 : vector<16xi32>
    %select_n3A_606 = arith.select %eq3A_605, %get3A_402, %broadcast_in_dim3A_3 : vector<16xi1>, vector<16xi32>
    %reduce_max3A_607 = arith.constant true
    %reduce_max3A_608 = vector.broadcast %reduce_max3A_607 : i1 to vector<16xi1>
    %reduce_max3A_609 = arith.constant -2147483648 : i32
    %reduce_max3A_610 = vector.broadcast %reduce_max3A_609 : i32 to vector<16xi32>
    %reduce_max3A_611 = arith.xori %select_n3A_606, %reduce_max3A_610 : vector<16xi32>
    %reduce_max3A_612 = tpu.scan <max>, %reduce_max3A_611 masked %reduce_max3A_608 : vector<16xi32>, vector<16xi1> -> vector<16xi32>
    %reduce_max3A_613 = arith.xori %reduce_max3A_612, %reduce_max3A_610 : vector<16xi32>
    %reduce_max3A_614 = vector.extract %reduce_max3A_613[15] : i32 from vector<16xi32>
    %dma_start3A_615 = arith.constant 24 : i32
    %dma_start3A_616 = arith.constant 0 : i32
    %dma_start3A_617 = tpu.memref_slice %arg6[%dma_start3A_615, %dma_start3A_616] : memref<32x300xf32, #tpu.memory_space<vmem>> -> memref<1x300xf32, #tpu.memory_space<vmem>>
    %dma_start3A_618 = tpu.memref_squeeze %dma_start3A_617 : memref<1x300xf32, #tpu.memory_space<vmem>> -> memref<300xf32, #tpu.memory_space<vmem>>
    %dma_start3A_619 = arith.constant 0 : i32
    %dma_start3A_620 = tpu.memref_slice %arg2[%reduce_max3A_614, %dma_start3A_619] : memref<100000x300xf32, #tpu.memory_space<hbm>> -> memref<1x300xf32, #tpu.memory_space<hbm>>
    %dma_start3A_621 = tpu.memref_squeeze %dma_start3A_620 : memref<1x300xf32, #tpu.memory_space<hbm>> -> memref<300xf32, #tpu.memory_space<hbm>>
    %dma_start3A_622 = arith.constant 0 : i32
    %dma_start3A_623 = tpu.memref_slice %arg6[%dma_start3A_615, %dma_start3A_622] : memref<32x300xf32, #tpu.memory_space<vmem>> -> memref<1x300xf32, #tpu.memory_space<vmem>>
    %dma_start3A_624 = tpu.memref_squeeze %dma_start3A_623 : memref<1x300xf32, #tpu.memory_space<vmem>> -> memref<300xf32, #tpu.memory_space<vmem>>
    %dma_start3A_625 = arith.constant 0 : i32
    %dma_start3A_626 = tpu.memref_slice %arg2[%reduce_max3A_614, %dma_start3A_625] : memref<100000x300xf32, #tpu.memory_space<hbm>> -> memref<1x300xf32, #tpu.memory_space<hbm>>
    %dma_start3A_627 = tpu.memref_squeeze %dma_start3A_626 : memref<1x300xf32, #tpu.memory_space<hbm>> -> memref<300xf32, #tpu.memory_space<hbm>>
    tpu.enqueue_dma source(%dma_start3A_627 : memref<300xf32, #tpu.memory_space<hbm>>) target(%dma_start3A_624 : memref<300xf32, #tpu.memory_space<vmem>>) target_semaphore(%arg7 : memref<!tpu.dma_semaphore, #tpu.memory_space<semaphore_mem>>)
    %eq3A_628 = arith.constant 9 : i32
    %eq3A_629 = vector.broadcast %eq3A_628 : i32 to vector<16xi32>
    %eq3A_630 = arith.cmpi eq, %iota3A, %eq3A_629 : vector<16xi32>
    %select_n3A_631 = arith.select %eq3A_630, %get3A_402, %broadcast_in_dim3A_3 : vector<16xi1>, vector<16xi32>
    %reduce_max3A_632 = arith.constant true
    %reduce_max3A_633 = vector.broadcast %reduce_max3A_632 : i1 to vector<16xi1>
    %reduce_max3A_634 = arith.constant -2147483648 : i32
    %reduce_max3A_635 = vector.broadcast %reduce_max3A_634 : i32 to vector<16xi32>
    %reduce_max3A_636 = arith.xori %select_n3A_631, %reduce_max3A_635 : vector<16xi32>
    %reduce_max3A_637 = tpu.scan <max>, %reduce_max3A_636 masked %reduce_max3A_633 : vector<16xi32>, vector<16xi1> -> vector<16xi32>
    %reduce_max3A_638 = arith.xori %reduce_max3A_637, %reduce_max3A_635 : vector<16xi32>
    %reduce_max3A_639 = vector.extract %reduce_max3A_638[15] : i32 from vector<16xi32>
    %dma_start3A_640 = arith.constant 25 : i32
    %dma_start3A_641 = arith.constant 0 : i32
    %dma_start3A_642 = tpu.memref_slice %arg6[%dma_start3A_640, %dma_start3A_641] : memref<32x300xf32, #tpu.memory_space<vmem>> -> memref<1x300xf32, #tpu.memory_space<vmem>>
    %dma_start3A_643 = tpu.memref_squeeze %dma_start3A_642 : memref<1x300xf32, #tpu.memory_space<vmem>> -> memref<300xf32, #tpu.memory_space<vmem>>
    %dma_start3A_644 = arith.constant 0 : i32
    %dma_start3A_645 = tpu.memref_slice %arg2[%reduce_max3A_639, %dma_start3A_644] : memref<100000x300xf32, #tpu.memory_space<hbm>> -> memref<1x300xf32, #tpu.memory_space<hbm>>
    %dma_start3A_646 = tpu.memref_squeeze %dma_start3A_645 : memref<1x300xf32, #tpu.memory_space<hbm>> -> memref<300xf32, #tpu.memory_space<hbm>>
    %dma_start3A_647 = arith.constant 0 : i32
    %dma_start3A_648 = tpu.memref_slice %arg6[%dma_start3A_640, %dma_start3A_647] : memref<32x300xf32, #tpu.memory_space<vmem>> -> memref<1x300xf32, #tpu.memory_space<vmem>>
    %dma_start3A_649 = tpu.memref_squeeze %dma_start3A_648 : memref<1x300xf32, #tpu.memory_space<vmem>> -> memref<300xf32, #tpu.memory_space<vmem>>
    %dma_start3A_650 = arith.constant 0 : i32
    %dma_start3A_651 = tpu.memref_slice %arg2[%reduce_max3A_639, %dma_start3A_650] : memref<100000x300xf32, #tpu.memory_space<hbm>> -> memref<1x300xf32, #tpu.memory_space<hbm>>
    %dma_start3A_652 = tpu.memref_squeeze %dma_start3A_651 : memref<1x300xf32, #tpu.memory_space<hbm>> -> memref<300xf32, #tpu.memory_space<hbm>>
    tpu.enqueue_dma source(%dma_start3A_652 : memref<300xf32, #tpu.memory_space<hbm>>) target(%dma_start3A_649 : memref<300xf32, #tpu.memory_space<vmem>>) target_semaphore(%arg7 : memref<!tpu.dma_semaphore, #tpu.memory_space<semaphore_mem>>)
    %eq3A_653 = arith.constant 10 : i32
    %eq3A_654 = vector.broadcast %eq3A_653 : i32 to vector<16xi32>
    %eq3A_655 = arith.cmpi eq, %iota3A, %eq3A_654 : vector<16xi32>
    %select_n3A_656 = arith.select %eq3A_655, %get3A_402, %broadcast_in_dim3A_3 : vector<16xi1>, vector<16xi32>
    %reduce_max3A_657 = arith.constant true
    %reduce_max3A_658 = vector.broadcast %reduce_max3A_657 : i1 to vector<16xi1>
    %reduce_max3A_659 = arith.constant -2147483648 : i32
    %reduce_max3A_660 = vector.broadcast %reduce_max3A_659 : i32 to vector<16xi32>
    %reduce_max3A_661 = arith.xori %select_n3A_656, %reduce_max3A_660 : vector<16xi32>
    %reduce_max3A_662 = tpu.scan <max>, %reduce_max3A_661 masked %reduce_max3A_658 : vector<16xi32>, vector<16xi1> -> vector<16xi32>
    %reduce_max3A_663 = arith.xori %reduce_max3A_662, %reduce_max3A_660 : vector<16xi32>
    %reduce_max3A_664 = vector.extract %reduce_max3A_663[15] : i32 from vector<16xi32>
    %dma_start3A_665 = arith.constant 26 : i32
    %dma_start3A_666 = arith.constant 0 : i32
    %dma_start3A_667 = tpu.memref_slice %arg6[%dma_start3A_665, %dma_start3A_666] : memref<32x300xf32, #tpu.memory_space<vmem>> -> memref<1x300xf32, #tpu.memory_space<vmem>>
    %dma_start3A_668 = tpu.memref_squeeze %dma_start3A_667 : memref<1x300xf32, #tpu.memory_space<vmem>> -> memref<300xf32, #tpu.memory_space<vmem>>
    %dma_start3A_669 = arith.constant 0 : i32
    %dma_start3A_670 = tpu.memref_slice %arg2[%reduce_max3A_664, %dma_start3A_669] : memref<100000x300xf32, #tpu.memory_space<hbm>> -> memref<1x300xf32, #tpu.memory_space<hbm>>
    %dma_start3A_671 = tpu.memref_squeeze %dma_start3A_670 : memref<1x300xf32, #tpu.memory_space<hbm>> -> memref<300xf32, #tpu.memory_space<hbm>>
    %dma_start3A_672 = arith.constant 0 : i32
    %dma_start3A_673 = tpu.memref_slice %arg6[%dma_start3A_665, %dma_start3A_672] : memref<32x300xf32, #tpu.memory_space<vmem>> -> memref<1x300xf32, #tpu.memory_space<vmem>>
    %dma_start3A_674 = tpu.memref_squeeze %dma_start3A_673 : memref<1x300xf32, #tpu.memory_space<vmem>> -> memref<300xf32, #tpu.memory_space<vmem>>
    %dma_start3A_675 = arith.constant 0 : i32
    %dma_start3A_676 = tpu.memref_slice %arg2[%reduce_max3A_664, %dma_start3A_675] : memref<100000x300xf32, #tpu.memory_space<hbm>> -> memref<1x300xf32, #tpu.memory_space<hbm>>
    %dma_start3A_677 = tpu.memref_squeeze %dma_start3A_676 : memref<1x300xf32, #tpu.memory_space<hbm>> -> memref<300xf32, #tpu.memory_space<hbm>>
    tpu.enqueue_dma source(%dma_start3A_677 : memref<300xf32, #tpu.memory_space<hbm>>) target(%dma_start3A_674 : memref<300xf32, #tpu.memory_space<vmem>>) target_semaphore(%arg7 : memref<!tpu.dma_semaphore, #tpu.memory_space<semaphore_mem>>)
    %eq3A_678 = arith.constant 11 : i32
    %eq3A_679 = vector.broadcast %eq3A_678 : i32 to vector<16xi32>
    %eq3A_680 = arith.cmpi eq, %iota3A, %eq3A_679 : vector<16xi32>
    %select_n3A_681 = arith.select %eq3A_680, %get3A_402, %broadcast_in_dim3A_3 : vector<16xi1>, vector<16xi32>
    %reduce_max3A_682 = arith.constant true
    %reduce_max3A_683 = vector.broadcast %reduce_max3A_682 : i1 to vector<16xi1>
    %reduce_max3A_684 = arith.constant -2147483648 : i32
    %reduce_max3A_685 = vector.broadcast %reduce_max3A_684 : i32 to vector<16xi32>
    %reduce_max3A_686 = arith.xori %select_n3A_681, %reduce_max3A_685 : vector<16xi32>
    %reduce_max3A_687 = tpu.scan <max>, %reduce_max3A_686 masked %reduce_max3A_683 : vector<16xi32>, vector<16xi1> -> vector<16xi32>
    %reduce_max3A_688 = arith.xori %reduce_max3A_687, %reduce_max3A_685 : vector<16xi32>
    %reduce_max3A_689 = vector.extract %reduce_max3A_688[15] : i32 from vector<16xi32>
    %dma_start3A_690 = arith.constant 27 : i32
    %dma_start3A_691 = arith.constant 0 : i32
    %dma_start3A_692 = tpu.memref_slice %arg6[%dma_start3A_690, %dma_start3A_691] : memref<32x300xf32, #tpu.memory_space<vmem>> -> memref<1x300xf32, #tpu.memory_space<vmem>>
    %dma_start3A_693 = tpu.memref_squeeze %dma_start3A_692 : memref<1x300xf32, #tpu.memory_space<vmem>> -> memref<300xf32, #tpu.memory_space<vmem>>
    %dma_start3A_694 = arith.constant 0 : i32
    %dma_start3A_695 = tpu.memref_slice %arg2[%reduce_max3A_689, %dma_start3A_694] : memref<100000x300xf32, #tpu.memory_space<hbm>> -> memref<1x300xf32, #tpu.memory_space<hbm>>
    %dma_start3A_696 = tpu.memref_squeeze %dma_start3A_695 : memref<1x300xf32, #tpu.memory_space<hbm>> -> memref<300xf32, #tpu.memory_space<hbm>>
    %dma_start3A_697 = arith.constant 0 : i32
    %dma_start3A_698 = tpu.memref_slice %arg6[%dma_start3A_690, %dma_start3A_697] : memref<32x300xf32, #tpu.memory_space<vmem>> -> memref<1x300xf32, #tpu.memory_space<vmem>>
    %dma_start3A_699 = tpu.memref_squeeze %dma_start3A_698 : memref<1x300xf32, #tpu.memory_space<vmem>> -> memref<300xf32, #tpu.memory_space<vmem>>
    %dma_start3A_700 = arith.constant 0 : i32
    %dma_start3A_701 = tpu.memref_slice %arg2[%reduce_max3A_689, %dma_start3A_700] : memref<100000x300xf32, #tpu.memory_space<hbm>> -> memref<1x300xf32, #tpu.memory_space<hbm>>
    %dma_start3A_702 = tpu.memref_squeeze %dma_start3A_701 : memref<1x300xf32, #tpu.memory_space<hbm>> -> memref<300xf32, #tpu.memory_space<hbm>>
    tpu.enqueue_dma source(%dma_start3A_702 : memref<300xf32, #tpu.memory_space<hbm>>) target(%dma_start3A_699 : memref<300xf32, #tpu.memory_space<vmem>>) target_semaphore(%arg7 : memref<!tpu.dma_semaphore, #tpu.memory_space<semaphore_mem>>)
    %eq3A_703 = arith.constant 12 : i32
    %eq3A_704 = vector.broadcast %eq3A_703 : i32 to vector<16xi32>
    %eq3A_705 = arith.cmpi eq, %iota3A, %eq3A_704 : vector<16xi32>
    %select_n3A_706 = arith.select %eq3A_705, %get3A_402, %broadcast_in_dim3A_3 : vector<16xi1>, vector<16xi32>
    %reduce_max3A_707 = arith.constant true
    %reduce_max3A_708 = vector.broadcast %reduce_max3A_707 : i1 to vector<16xi1>
    %reduce_max3A_709 = arith.constant -2147483648 : i32
    %reduce_max3A_710 = vector.broadcast %reduce_max3A_709 : i32 to vector<16xi32>
    %reduce_max3A_711 = arith.xori %select_n3A_706, %reduce_max3A_710 : vector<16xi32>
    %reduce_max3A_712 = tpu.scan <max>, %reduce_max3A_711 masked %reduce_max3A_708 : vector<16xi32>, vector<16xi1> -> vector<16xi32>
    %reduce_max3A_713 = arith.xori %reduce_max3A_712, %reduce_max3A_710 : vector<16xi32>
    %reduce_max3A_714 = vector.extract %reduce_max3A_713[15] : i32 from vector<16xi32>
    %dma_start3A_715 = arith.constant 28 : i32
    %dma_start3A_716 = arith.constant 0 : i32
    %dma_start3A_717 = tpu.memref_slice %arg6[%dma_start3A_715, %dma_start3A_716] : memref<32x300xf32, #tpu.memory_space<vmem>> -> memref<1x300xf32, #tpu.memory_space<vmem>>
    %dma_start3A_718 = tpu.memref_squeeze %dma_start3A_717 : memref<1x300xf32, #tpu.memory_space<vmem>> -> memref<300xf32, #tpu.memory_space<vmem>>
    %dma_start3A_719 = arith.constant 0 : i32
    %dma_start3A_720 = tpu.memref_slice %arg2[%reduce_max3A_714, %dma_start3A_719] : memref<100000x300xf32, #tpu.memory_space<hbm>> -> memref<1x300xf32, #tpu.memory_space<hbm>>
    %dma_start3A_721 = tpu.memref_squeeze %dma_start3A_720 : memref<1x300xf32, #tpu.memory_space<hbm>> -> memref<300xf32, #tpu.memory_space<hbm>>
    %dma_start3A_722 = arith.constant 0 : i32
    %dma_start3A_723 = tpu.memref_slice %arg6[%dma_start3A_715, %dma_start3A_722] : memref<32x300xf32, #tpu.memory_space<vmem>> -> memref<1x300xf32, #tpu.memory_space<vmem>>
    %dma_start3A_724 = tpu.memref_squeeze %dma_start3A_723 : memref<1x300xf32, #tpu.memory_space<vmem>> -> memref<300xf32, #tpu.memory_space<vmem>>
    %dma_start3A_725 = arith.constant 0 : i32
    %dma_start3A_726 = tpu.memref_slice %arg2[%reduce_max3A_714, %dma_start3A_725] : memref<100000x300xf32, #tpu.memory_space<hbm>> -> memref<1x300xf32, #tpu.memory_space<hbm>>
    %dma_start3A_727 = tpu.memref_squeeze %dma_start3A_726 : memref<1x300xf32, #tpu.memory_space<hbm>> -> memref<300xf32, #tpu.memory_space<hbm>>
    tpu.enqueue_dma source(%dma_start3A_727 : memref<300xf32, #tpu.memory_space<hbm>>) target(%dma_start3A_724 : memref<300xf32, #tpu.memory_space<vmem>>) target_semaphore(%arg7 : memref<!tpu.dma_semaphore, #tpu.memory_space<semaphore_mem>>)
    %eq3A_728 = arith.constant 13 : i32
    %eq3A_729 = vector.broadcast %eq3A_728 : i32 to vector<16xi32>
    %eq3A_730 = arith.cmpi eq, %iota3A, %eq3A_729 : vector<16xi32>
    %select_n3A_731 = arith.select %eq3A_730, %get3A_402, %broadcast_in_dim3A_3 : vector<16xi1>, vector<16xi32>
    %reduce_max3A_732 = arith.constant true
    %reduce_max3A_733 = vector.broadcast %reduce_max3A_732 : i1 to vector<16xi1>
    %reduce_max3A_734 = arith.constant -2147483648 : i32
    %reduce_max3A_735 = vector.broadcast %reduce_max3A_734 : i32 to vector<16xi32>
    %reduce_max3A_736 = arith.xori %select_n3A_731, %reduce_max3A_735 : vector<16xi32>
    %reduce_max3A_737 = tpu.scan <max>, %reduce_max3A_736 masked %reduce_max3A_733 : vector<16xi32>, vector<16xi1> -> vector<16xi32>
    %reduce_max3A_738 = arith.xori %reduce_max3A_737, %reduce_max3A_735 : vector<16xi32>
    %reduce_max3A_739 = vector.extract %reduce_max3A_738[15] : i32 from vector<16xi32>
    %dma_start3A_740 = arith.constant 29 : i32
    %dma_start3A_741 = arith.constant 0 : i32
    %dma_start3A_742 = tpu.memref_slice %arg6[%dma_start3A_740, %dma_start3A_741] : memref<32x300xf32, #tpu.memory_space<vmem>> -> memref<1x300xf32, #tpu.memory_space<vmem>>
    %dma_start3A_743 = tpu.memref_squeeze %dma_start3A_742 : memref<1x300xf32, #tpu.memory_space<vmem>> -> memref<300xf32, #tpu.memory_space<vmem>>
    %dma_start3A_744 = arith.constant 0 : i32
    %dma_start3A_745 = tpu.memref_slice %arg2[%reduce_max3A_739, %dma_start3A_744] : memref<100000x300xf32, #tpu.memory_space<hbm>> -> memref<1x300xf32, #tpu.memory_space<hbm>>
    %dma_start3A_746 = tpu.memref_squeeze %dma_start3A_745 : memref<1x300xf32, #tpu.memory_space<hbm>> -> memref<300xf32, #tpu.memory_space<hbm>>
    %dma_start3A_747 = arith.constant 0 : i32
    %dma_start3A_748 = tpu.memref_slice %arg6[%dma_start3A_740, %dma_start3A_747] : memref<32x300xf32, #tpu.memory_space<vmem>> -> memref<1x300xf32, #tpu.memory_space<vmem>>
    %dma_start3A_749 = tpu.memref_squeeze %dma_start3A_748 : memref<1x300xf32, #tpu.memory_space<vmem>> -> memref<300xf32, #tpu.memory_space<vmem>>
    %dma_start3A_750 = arith.constant 0 : i32
    %dma_start3A_751 = tpu.memref_slice %arg2[%reduce_max3A_739, %dma_start3A_750] : memref<100000x300xf32, #tpu.memory_space<hbm>> -> memref<1x300xf32, #tpu.memory_space<hbm>>
    %dma_start3A_752 = tpu.memref_squeeze %dma_start3A_751 : memref<1x300xf32, #tpu.memory_space<hbm>> -> memref<300xf32, #tpu.memory_space<hbm>>
    tpu.enqueue_dma source(%dma_start3A_752 : memref<300xf32, #tpu.memory_space<hbm>>) target(%dma_start3A_749 : memref<300xf32, #tpu.memory_space<vmem>>) target_semaphore(%arg7 : memref<!tpu.dma_semaphore, #tpu.memory_space<semaphore_mem>>)
    %eq3A_753 = arith.constant 14 : i32
    %eq3A_754 = vector.broadcast %eq3A_753 : i32 to vector<16xi32>
    %eq3A_755 = arith.cmpi eq, %iota3A, %eq3A_754 : vector<16xi32>
    %select_n3A_756 = arith.select %eq3A_755, %get3A_402, %broadcast_in_dim3A_3 : vector<16xi1>, vector<16xi32>
    %reduce_max3A_757 = arith.constant true
    %reduce_max3A_758 = vector.broadcast %reduce_max3A_757 : i1 to vector<16xi1>
    %reduce_max3A_759 = arith.constant -2147483648 : i32
    %reduce_max3A_760 = vector.broadcast %reduce_max3A_759 : i32 to vector<16xi32>
    %reduce_max3A_761 = arith.xori %select_n3A_756, %reduce_max3A_760 : vector<16xi32>
    %reduce_max3A_762 = tpu.scan <max>, %reduce_max3A_761 masked %reduce_max3A_758 : vector<16xi32>, vector<16xi1> -> vector<16xi32>
    %reduce_max3A_763 = arith.xori %reduce_max3A_762, %reduce_max3A_760 : vector<16xi32>
    %reduce_max3A_764 = vector.extract %reduce_max3A_763[15] : i32 from vector<16xi32>
    %dma_start3A_765 = arith.constant 30 : i32
    %dma_start3A_766 = arith.constant 0 : i32
    %dma_start3A_767 = tpu.memref_slice %arg6[%dma_start3A_765, %dma_start3A_766] : memref<32x300xf32, #tpu.memory_space<vmem>> -> memref<1x300xf32, #tpu.memory_space<vmem>>
    %dma_start3A_768 = tpu.memref_squeeze %dma_start3A_767 : memref<1x300xf32, #tpu.memory_space<vmem>> -> memref<300xf32, #tpu.memory_space<vmem>>
    %dma_start3A_769 = arith.constant 0 : i32
    %dma_start3A_770 = tpu.memref_slice %arg2[%reduce_max3A_764, %dma_start3A_769] : memref<100000x300xf32, #tpu.memory_space<hbm>> -> memref<1x300xf32, #tpu.memory_space<hbm>>
    %dma_start3A_771 = tpu.memref_squeeze %dma_start3A_770 : memref<1x300xf32, #tpu.memory_space<hbm>> -> memref<300xf32, #tpu.memory_space<hbm>>
    %dma_start3A_772 = arith.constant 0 : i32
    %dma_start3A_773 = tpu.memref_slice %arg6[%dma_start3A_765, %dma_start3A_772] : memref<32x300xf32, #tpu.memory_space<vmem>> -> memref<1x300xf32, #tpu.memory_space<vmem>>
    %dma_start3A_774 = tpu.memref_squeeze %dma_start3A_773 : memref<1x300xf32, #tpu.memory_space<vmem>> -> memref<300xf32, #tpu.memory_space<vmem>>
    %dma_start3A_775 = arith.constant 0 : i32
    %dma_start3A_776 = tpu.memref_slice %arg2[%reduce_max3A_764, %dma_start3A_775] : memref<100000x300xf32, #tpu.memory_space<hbm>> -> memref<1x300xf32, #tpu.memory_space<hbm>>
    %dma_start3A_777 = tpu.memref_squeeze %dma_start3A_776 : memref<1x300xf32, #tpu.memory_space<hbm>> -> memref<300xf32, #tpu.memory_space<hbm>>
    tpu.enqueue_dma source(%dma_start3A_777 : memref<300xf32, #tpu.memory_space<hbm>>) target(%dma_start3A_774 : memref<300xf32, #tpu.memory_space<vmem>>) target_semaphore(%arg7 : memref<!tpu.dma_semaphore, #tpu.memory_space<semaphore_mem>>)
    %eq3A_778 = arith.constant 15 : i32
    %eq3A_779 = vector.broadcast %eq3A_778 : i32 to vector<16xi32>
    %eq3A_780 = arith.cmpi eq, %iota3A, %eq3A_779 : vector<16xi32>
    %select_n3A_781 = arith.select %eq3A_780, %get3A_402, %broadcast_in_dim3A_3 : vector<16xi1>, vector<16xi32>
    %reduce_max3A_782 = arith.constant true
    %reduce_max3A_783 = vector.broadcast %reduce_max3A_782 : i1 to vector<16xi1>
    %reduce_max3A_784 = arith.constant -2147483648 : i32
    %reduce_max3A_785 = vector.broadcast %reduce_max3A_784 : i32 to vector<16xi32>
    %reduce_max3A_786 = arith.xori %select_n3A_781, %reduce_max3A_785 : vector<16xi32>
    %reduce_max3A_787 = tpu.scan <max>, %reduce_max3A_786 masked %reduce_max3A_783 : vector<16xi32>, vector<16xi1> -> vector<16xi32>
    %reduce_max3A_788 = arith.xori %reduce_max3A_787, %reduce_max3A_785 : vector<16xi32>
    %reduce_max3A_789 = vector.extract %reduce_max3A_788[15] : i32 from vector<16xi32>
    %dma_start3A_790 = arith.constant 31 : i32
    %dma_start3A_791 = arith.constant 0 : i32
    %dma_start3A_792 = tpu.memref_slice %arg6[%dma_start3A_790, %dma_start3A_791] : memref<32x300xf32, #tpu.memory_space<vmem>> -> memref<1x300xf32, #tpu.memory_space<vmem>>
    %dma_start3A_793 = tpu.memref_squeeze %dma_start3A_792 : memref<1x300xf32, #tpu.memory_space<vmem>> -> memref<300xf32, #tpu.memory_space<vmem>>
    %dma_start3A_794 = arith.constant 0 : i32
    %dma_start3A_795 = tpu.memref_slice %arg2[%reduce_max3A_789, %dma_start3A_794] : memref<100000x300xf32, #tpu.memory_space<hbm>> -> memref<1x300xf32, #tpu.memory_space<hbm>>
    %dma_start3A_796 = tpu.memref_squeeze %dma_start3A_795 : memref<1x300xf32, #tpu.memory_space<hbm>> -> memref<300xf32, #tpu.memory_space<hbm>>
    %dma_start3A_797 = arith.constant 0 : i32
    %dma_start3A_798 = tpu.memref_slice %arg6[%dma_start3A_790, %dma_start3A_797] : memref<32x300xf32, #tpu.memory_space<vmem>> -> memref<1x300xf32, #tpu.memory_space<vmem>>
    %dma_start3A_799 = tpu.memref_squeeze %dma_start3A_798 : memref<1x300xf32, #tpu.memory_space<vmem>> -> memref<300xf32, #tpu.memory_space<vmem>>
    %dma_start3A_800 = arith.constant 0 : i32
    %dma_start3A_801 = tpu.memref_slice %arg2[%reduce_max3A_789, %dma_start3A_800] : memref<100000x300xf32, #tpu.memory_space<hbm>> -> memref<1x300xf32, #tpu.memory_space<hbm>>
    %dma_start3A_802 = tpu.memref_squeeze %dma_start3A_801 : memref<1x300xf32, #tpu.memory_space<hbm>> -> memref<300xf32, #tpu.memory_space<hbm>>
    tpu.enqueue_dma source(%dma_start3A_802 : memref<300xf32, #tpu.memory_space<hbm>>) target(%dma_start3A_799 : memref<300xf32, #tpu.memory_space<vmem>>) target_semaphore(%arg7 : memref<!tpu.dma_semaphore, #tpu.memory_space<semaphore_mem>>)
    %scan3A = arith.constant 0 : i32
    %scan3A_803 = arith.constant 0 : i32
    %scan3A_804 = arith.constant 32 : i32
    %scan3A_805 = arith.addi %scan3A_803, %scan3A_804 : i32
    %scan3A_806 = arith.constant 1 : i32
    scf.for %scan3A_808 = %scan3A_803 to %scan3A_805 step %scan3A_806  : i32 {
      %dma_wait3A = arith.constant 0 : i32
      %dma_wait3A_809 = arith.constant 0 : i32
      %dma_wait3A_810 = arith.constant 0 : i32
      %dma_wait3A_811 = tpu.memref_slice %arg6[%dma_wait3A_809, %dma_wait3A_810] : memref<32x300xf32, #tpu.memory_space<vmem>> -> memref<1x300xf32, #tpu.memory_space<vmem>>
      %dma_wait3A_812 = tpu.memref_squeeze %dma_wait3A_811 : memref<1x300xf32, #tpu.memory_space<vmem>> -> memref<300xf32, #tpu.memory_space<vmem>>
      %dma_wait3A_813 = arith.constant 0 : i32
      %dma_wait3A_814 = tpu.memref_slice %arg2[%dma_wait3A, %dma_wait3A_813] : memref<100000x300xf32, #tpu.memory_space<hbm>> -> memref<1x300xf32, #tpu.memory_space<hbm>>
      %dma_wait3A_815 = tpu.memref_squeeze %dma_wait3A_814 : memref<1x300xf32, #tpu.memory_space<hbm>> -> memref<300xf32, #tpu.memory_space<hbm>>
      %dma_wait3A_816 = arith.constant 0 : i32
      %dma_wait3A_817 = tpu.memref_slice %arg6[%dma_wait3A_809, %dma_wait3A_816] : memref<32x300xf32, #tpu.memory_space<vmem>> -> memref<1x300xf32, #tpu.memory_space<vmem>>
      %dma_wait3A_818 = tpu.memref_squeeze %dma_wait3A_817 : memref<1x300xf32, #tpu.memory_space<vmem>> -> memref<300xf32, #tpu.memory_space<vmem>>
      %dma_wait3A_819 = arith.constant 0 : i32
      %dma_wait3A_820 = tpu.memref_slice %arg2[%dma_wait3A, %dma_wait3A_819] : memref<100000x300xf32, #tpu.memory_space<hbm>> -> memref<1x300xf32, #tpu.memory_space<hbm>>
      %dma_wait3A_821 = tpu.memref_squeeze %dma_wait3A_820 : memref<1x300xf32, #tpu.memory_space<hbm>> -> memref<300xf32, #tpu.memory_space<hbm>>
      tpu.wait_dma2 semaphore(%arg7 : memref<!tpu.dma_semaphore, #tpu.memory_space<semaphore_mem>>) src(%dma_wait3A_821 : memref<300xf32, #tpu.memory_space<hbm>>) dst(%dma_wait3A_818 : memref<300xf32, #tpu.memory_space<vmem>>)
    }
    %scan3A_807 = arith.constant 32 : i32
    "tpu.region"() ({
      %run_scoped3A = tpu.sem_alloc : memref<!tpu.dma_semaphore, #tpu.memory_space<semaphore_mem>>
      %dma_start3A_808 = arith.constant 0 : i32
      %dma_start3A_809 = tpu.memref_slice %arg4[%mul3A_2, %dma_start3A_808] : memref<1024x300xf32, #tpu.memory_space<hbm>> -> memref<32x300xf32, #tpu.memory_space<hbm>>
      %dma_start3A_810 = arith.constant 0 : i32
      %dma_start3A_811 = tpu.memref_slice %arg4[%mul3A_2, %dma_start3A_810] : memref<1024x300xf32, #tpu.memory_space<hbm>> -> memref<32x300xf32, #tpu.memory_space<hbm>>
      tpu.enqueue_dma source(%arg6 : memref<32x300xf32, #tpu.memory_space<vmem>>) target(%dma_start3A_811 : memref<32x300xf32, #tpu.memory_space<hbm>>) target_semaphore(%run_scoped3A : memref<!tpu.dma_semaphore, #tpu.memory_space<semaphore_mem>>)
      %dma_wait3A = arith.constant 0 : i32
      %dma_wait3A_812 = tpu.memref_slice %arg4[%mul3A_2, %dma_wait3A] : memref<1024x300xf32, #tpu.memory_space<hbm>> -> memref<32x300xf32, #tpu.memory_space<hbm>>
      %dma_wait3A_813 = arith.constant 0 : i32
      %dma_wait3A_814 = tpu.memref_slice %arg4[%mul3A_2, %dma_wait3A_813] : memref<1024x300xf32, #tpu.memory_space<hbm>> -> memref<32x300xf32, #tpu.memory_space<hbm>>
      tpu.wait_dma2 semaphore(%run_scoped3A : memref<!tpu.dma_semaphore, #tpu.memory_space<semaphore_mem>>) src(%arg6 : memref<32x300xf32, #tpu.memory_space<vmem>>) dst(%dma_wait3A_814 : memref<32x300xf32, #tpu.memory_space<hbm>>)
      tpu.yield
    }) : () -> ()
    return
  }
}

module attributes {stable_mosaic.version = 14 : i64} {
  func.func @_tc_body(%arg0: i32, %arg1: memref<300x6400xf32, #tpu.memory_space<vmem>>, %arg2: memref<64x300xf32, #tpu.memory_space<vmem>>, %arg3: memref<1x6400xf32, #tpu.memory_space<vmem>>) attributes {dimension_semantics = [#tpu.dimension_semantics<arbitrary>], iteration_bounds = array<i64: 16>, scalar_prefetch = 0 : i64, scratch_operands = 0 : i64, tpu.core_type = #tpu.core_type<tc>, window_params = [{transform_indices = @transform_0, window_bounds = array<i64: 300, 6400>}, {transform_indices = @transform_1, window_bounds = array<i64: 64, 300>}, {transform_indices = @transform_2, window_bounds = array<i64: 1, 6400>}]} {
    %get3A = arith.constant 0 : index
    %get3A_0 = arith.constant 0 : index
    %get3A_1 = vector.load %arg1[%get3A, %get3A_0] : memref<300x6400xf32, #tpu.memory_space<vmem>>, vector<300x6400xf32>
    %get3A_2 = arith.constant 0 : index
    %get3A_3 = arith.constant 0 : index
    %get3A_4 = vector.load %arg2[%get3A_2, %get3A_3] : memref<64x300xf32, #tpu.memory_space<vmem>>, vector<64x300xf32>
    %dot_general3A = arith.constant dense<0.000000e+00> : vector<64x6400xf32>
    %dot_general3A_5 = tpu.matmul %get3A_4, %get3A_1, %dot_general3A {dimension_numbers = #tpu.dot_dimension_numbers<[1], [0], [0], [1], [0, 0, 1, 1], [], []>, transpose_lhs_hint = false} : vector<64x300xf32>, vector<300x6400xf32>, vector<64x6400xf32> -> vector<64x6400xf32>
    %iota3A = tpu.iota {dimensions = array<i32: 0>} : vector<64x6400xi32>
    %iota3A_6 = tpu.iota {dimensions = array<i32: 1>} : vector<64x6400xi32>
    %mul3A = arith.constant 100 : i32
    %mul3A_7 = vector.broadcast %mul3A : i32 to vector<64x6400xi32>
    %mul3A_8 = arith.muli %iota3A, %mul3A_7 : vector<64x6400xi32>
    %sub3A = arith.subi %iota3A_6, %mul3A_8 : vector<64x6400xi32>
    %ge3A = arith.constant 0 : i32
    %ge3A_9 = vector.broadcast %ge3A : i32 to vector<64x6400xi32>
    %ge3A_10 = arith.cmpi sge, %sub3A, %ge3A_9 : vector<64x6400xi32>
    %lt3A = arith.constant 100 : i32
    %lt3A_11 = vector.broadcast %lt3A : i32 to vector<64x6400xi32>
    %lt3A_12 = arith.cmpi slt, %sub3A, %lt3A_11 : vector<64x6400xi32>
    %and3A = arith.andi %ge3A_10, %lt3A_12 : vector<64x6400xi1>
    %jit3A = arith.constant 0.000000e+00 : f32
    %broadcast_in_dim3A = vector.broadcast %jit3A : f32 to vector<64x6400xf32>
    %select_n3A = arith.select %and3A, %dot_general3A_5, %broadcast_in_dim3A : vector<64x6400xi1>, vector<64x6400xf32>
    %reduce_sum3A = arith.constant dense<0.000000e+00> : vector<6400xf32>
    %reduce_sum3A_13 = vector.multi_reduction <add>, %select_n3A, %reduce_sum3A [0] : vector<64x6400xf32> to vector<6400xf32>
    %mul3A_14 = arith.mulf %get3A_1, %get3A_1 : vector<300x6400xf32>
    %reduce_sum3A_15 = arith.constant dense<0.000000e+00> : vector<6400xf32>
    %reduce_sum3A_16 = vector.multi_reduction <add>, %mul3A_14, %reduce_sum3A_15 [0] : vector<300x6400xf32> to vector<6400xf32>
    %sqrt3A = math.sqrt %reduce_sum3A_16 : vector<6400xf32>
    %max3A = arith.constant 9.99999996E-13 : f32
    %max3A_17 = vector.broadcast %max3A : f32 to vector<6400xf32>
    %max3A_18 = arith.maximumf %sqrt3A, %max3A_17 : vector<6400xf32>
    %div3A = arith.divf %reduce_sum3A_13, %max3A_18 : vector<6400xf32>
    %broadcast_in_dim3A_19 = vector.shape_cast %div3A : vector<6400xf32> to vector<1x6400xf32>
    %swap3A = arith.constant 0 : index
    %swap3A_20 = arith.constant 0 : index
    %swap3A_21 = vector.load %arg3[%swap3A, %swap3A_20] : memref<1x6400xf32, #tpu.memory_space<vmem>>, vector<1x6400xf32>
    tpu.vector_store %arg3[%swap3A, %swap3A_20], %broadcast_in_dim3A_19 {strides = array<i32>} : memref<1x6400xf32, #tpu.memory_space<vmem>>, vector<1x6400xf32>,
    return
  }
  func.func @transform_0(%arg0: i32) -> (i32, i32) {
    %c0_i32 = arith.constant 0 : i32
    %c0_i32_0 = arith.constant 0 : i32
    return %c0_i32, %arg0 : i32, i32
  }
  func.func @transform_1(%arg0: i32) -> (i32, i32) {
    %c0_i32 = arith.constant 0 : i32
    %c0_i32_0 = arith.constant 0 : i32
    return %arg0, %c0_i32 : i32, i32
  }
  func.func @transform_2(%arg0: i32) -> (i32, i32) {
    %c0_i32 = arith.constant 0 : i32
    %c0_i32_0 = arith.constant 0 : i32
    return %c0_i32, %arg0 : i32, i32
  }
}

</mosaic_0001>

<sc_bundles>
// kernel: kernel.4.cloned.1.call-start
scs
__scs_entry_jumppad:
0x0: {  	(pc) =	sbr.rel $0x88, $3  }
0x1: {  	(tag) =	ssettag $0x0;
	lr =	simm.s32 $0x1  }
0x2: {  	[smem:$0x3F9E] =	sst lr;
	_ =	strace $0xD0000000  }
0x3: {  	_ = 	snop  }
0x4: {  	_ = 	snop  }
0x5: {  	_ = 	snop  }
0x6: {  	_ = 	snop  }
0x7: {  	_ = 	snop  }
__scs_overlays_trampoline_lowered:
0x8: {  	[smem:$0x3FAD] =	sst s0  }
0x9: {  	[smem:$0x3FAE] =	sst s1  }
0xa: {  	[smem:$0x3FAF] =	sst s2  }
0xb: {  	[smem:$0x3FB0] =	sst s3  }
0xc: {  	[smem:$0x3FB1] =	sst s4  }
0xd: {  	[smem:$0x3FB2] =	sst s5  }
0xe: {  	[smem:$0x3FB3] =	sst s6  }
0xf: {  	[smem:$0x3FB4] =	sst s7  }
0x10: {  	[smem:$0x3FB5] =	sst s8  }
0x11: {  	[smem:$0x3FB6] =	sst s9;
	s0 =	simm.s32 @!p0 $0x0  }
0x12: {  	s1 =	sld [smem:$0x3F9C];
	s0 =	simm.s32 @p0 $0x1  }
0x13: {  	[smem:$0x3FB7] =	sst s0;
	s0 =	simm.s32 @!p1 $0x0  }
0x14: {  	s2 =	sld [smem:$0x3F9B];
	s0 =	simm.s32 @p1 $0x1  }
0x15: {  	[smem:$0x3FB8] =	sst s0;
	s0 =	simm.s32 @!p2 $0x0  }
0x16: {  	s3 =	sld [smem:$0x3FDB];
	s0 =	simm.s32 @p2 $0x1  }
0x17: {  	s4 =	simm.s32 $0x1BF5;
	[smem:$0x3FBA] =	sst s0  }
0x18: {  	s0 =	sld [smem:$0x3F9D];
	_ =	swait.ge [sflag:s4], $0x0  }
0x19: {  	s7 =	sld [smem:$0x3F9E]  }
0x1a: {  	s8 =	sadd.s32 $0xFFFFE003, lr  }
0x1b: {  	s9 =	sadd.s32 $0xFFFFFEF7, lr;
	s5 =	simm.s32 $0xFFFFFFFF;
	p2 =	slt.u32 s8, $0xFFFFF086  }
0x1c: {  	p1 =	slt.u32 s9, $0xF7A;
	s5 =	simm.s32 @!p2 $0x0  }
0x1d: {  	s5 =	simm.s32 @p1 $0x1;
	p0 =	seq.s32 s7, s2  }
0x1e: {  	s7 =	smul.u32 @!p0 $0xF7A, s2;
	p2 =	seq.s32 @!p0 s5, $0x0  }
0x1f: {  	s9 =	smul.u32 $0xF7A, s1;
	s8 =	simm.s32 @!p0 $0x1BF5;
	p2 =	por !p2, p0  }
0x20: {  	[sflag:s8] =	ssyncset.s32 @!p0 $0xFFFFF086;
	s6 =	sadd.s32 @!p0 s3, s7;
	s7 =	simm.s32 @!p0 $0x108  }
0x21: {  	s3 =	sadd.s32 s3, s9;
	s6 =	sadd.s32 @!p0 $0x88, s6;
	s7 =	simm.s32 @p2 $0x1082  }
0x22: {  	[simem:s7], [sflag:s8] =	dma.local @!p0 [hbm:s6], $0xF7A  }
0x23: {  	s9 =	sor.u32 $0xD0000000, s2;
	s6 =	simm.s32 $0x108;
	_ =	swait.ge @!p0 [sflag:s8], $0x0  }
0x24: {  	s3 =	sadd.s32 $0x88, s3;
	s6 =	simm.s32 @!p1 $0x1082;
	[sflag:s4] =	ssyncset.s32 $0xFFFFF086  }
0x25: {  	[simem:s6], [sflag:s4] =	dma.local [hbm:s3], $0xF7A  }
0x26: {  	[smem:$0x3F9E] =	sst s1;
	(tag) =	ssettag s2;
	_ =	strace s9  }
0x27: {  	s1 =	sld [smem:$0x3FAE]  }
0x28: {  	s2 =	sld [smem:$0x3FAF]  }
0x29: {  	s4 =	sld [smem:$0x3FB1]  }
0x2a: {  	p0 =	seq.s32 s5, $0x0;
	s5 =	sld [smem:$0x3FB2]  }
0x2b: {  	s6 =	sld [smem:$0x3FB3]  }
0x2c: {  	s7 =	sld [smem:$0x3FB4]  }
0x2d: {  	s3 =	simm.s32 $0x108;
	s8 =	sld [smem:$0x3FB5]  }
0x2e: {  	s3 =	simm.s32 @!p0 $0x1082;
	s9 =	sld [smem:$0x3FB6]  }
0x2f: {  	lr =	sadd.s32 s0, s3;
	s0 =	sld [smem:$0x3FAD]  }
0x30: {  	s3 =	sld [smem:$0x3FB0]  }
0x31: {  	[smem:$0x3FB9] =	sst s10  }
0x32: {  	s10 =	sld [smem:$0x3FB7];
	_ =	sdelay $0x3  }
0x33: {  	p0 =	seq.s32 s10, $0x1;
	s10 =	sld [smem:$0x3FB9];
	_ =	sdelay $0x3  }
0x34: {  	[smem:$0x3FB9] =	sst s10  }
0x35: {  	s10 =	sld [smem:$0x3FB8];
	_ =	sdelay $0x3  }
0x36: {  	p1 =	seq.s32 s10, $0x1;
	s10 =	sld [smem:$0x3FB9];
	_ =	sdelay $0x3  }
0x37: {  	[smem:$0x3FB9] =	sst s10  }
0x38: {  	s10 =	sld [smem:$0x3FBA]  }
0x39: {  	_ = 	snop;
	(pc) =	sbr.ind lr, $3  }
0x3a: {  	_ = 	snop  }
0x3b: {  	_ = 	snop  }
0x3c: {  	p2 =	seq.s32 s10, $0x1;
	s10 =	sld [smem:$0x3FB9]  }
0x3d: {  	_ =	shalt  }
0x3e: {  	_ =	shalt  }
0x3f: {  	_ =	shalt  }
0x40: {  	_ =	shalt  }
0x41: {  	_ =	shalt  }
0x42: {  	_ =	shalt  }
0x43: {  	_ =	shalt  }
0x44: {  	_ =	shalt  }
0x45: {  	_ =	shalt  }
0x46: {  	_ =	shalt  }
0x47: {  	_ =	shalt  }
0x48: {  	_ =	shalt  }
0x49: {  	_ =	shalt  }
0x4a: {  	_ =	shalt  }
0x4b: {  	_ =	shalt  }
0x4c: {  	_ =	shalt  }
0x4d: {  	_ =	shalt  }
0x4e: {  	_ =	shalt  }
0x4f: {  	_ =	shalt  }
0x50: {  	_ =	shalt  }
0x51: {  	_ =	shalt  }
0x52: {  	_ =	shalt  }
0x53: {  	_ =	shalt  }
0x54: {  	_ =	shalt  }
0x55: {  	_ =	shalt  }
0x56: {  	_ =	shalt  }
0x57: {  	_ =	shalt  }
0x58: {  	_ =	shalt  }
0x59: {  	_ =	shalt  }
0x5a: {  	_ =	shalt  }
0x5b: {  	_ =	shalt  }
0x5c: {  	_ =	shalt  }
0x5d: {  	_ =	shalt  }
0x5e: {  	_ =	shalt  }
0x5f: {  	_ =	shalt  }
0x60: {  	_ =	shalt  }
0x61: {  	_ =	shalt  }
0x62: {  	_ =	shalt  }
0x63: {  	_ =	shalt  }
0x64: {  	_ =	shalt  }
0x65: {  	_ =	shalt  }
0x66: {  	_ =	shalt  }
0x67: {  	_ =	shalt  }
0x68: {  	_ =	shalt  }
0x69: {  	_ =	shalt  }
0x6a: {  	_ =	shalt  }
0x6b: {  	_ =	shalt  }
0x6c: {  	_ =	shalt  }
0x6d: {  	_ =	shalt  }
0x6e: {  	_ =	shalt  }
0x6f: {  	_ =	shalt  }
0x70: {  	_ =	shalt  }
0x71: {  	_ =	shalt  }
0x72: {  	_ =	shalt  }
0x73: {  	_ =	shalt  }
0x74: {  	_ =	shalt  }
0x75: {  	_ =	shalt  }
0x76: {  	_ =	shalt  }
0x77: {  	_ =	shalt  }
0x78: {  	_ =	shalt  }
0x79: {  	_ =	shalt  }
0x7a: {  	_ =	shalt  }
0x7b: {  	_ =	shalt  }
0x7c: {  	_ =	shalt  }
0x7d: {  	_ =	shalt  }
0x7e: {  	_ =	shalt  }
0x7f: {  	_ =	shalt  }
0x80: {  	_ =	shalt  }
0x81: {  	_ =	shalt  }
0x82: {  	_ =	shalt  }
0x83: {  	_ =	shalt  }
0x84: {  	_ =	shalt  }
0x85: {  	_ =	shalt  }
0x86: {  	_ =	shalt  }
0x87: {  	_ =	shalt  }
.Lfunc_end0:
.L_simem_size_0:
called_computation_lowered:
.L_overlay_start_0:
0x88: {  	s2 =	sld [smem:$0x3FD9]  }
0x89: {  	s3 =	sld [smem:$0x3FFE];
	_ =	sdelay $0x1  }
0x8a: {  	s1 =	srdreg.scid  }
0x8b: {  	s0 =	sand.u32 $0x1, s1  }
0x8c: {  	s17 =	sshll.u32 s0, $0xA;
	s2 =	sadd.s32 s3, s2  }
0x8d: {  	s2 =	sadd.s32 s2, s17  }
0x8e: {  	[smem:$0x3FC5] =	sst s2  }
0x8f: {  	_ = 	snop  }
0x90: {  	s2 =	sld [smem:$0x3FC8];
	(tm) =	ssettm $0x1  }
0x91: {  	s18 =	sld [smem:$0x3FFB];
	_ =	sdelay $0x3  }
0x92: {  	_ =	strace s18  }
0x93: {  	s3 =	sld [smem:$0x3FFC];
	_ =	sdelay $0x3  }
0x94: {  	_ =	strace s3  }
0x95: {  	s3 =	sld [smem:$0x3FFD];
	_ =	sdelay $0x3  }
0x96: {  	_ =	strace s3  }
0x97: {  	_ =	strace $0x8FFFFFFF  }
0x98: {  	s19 =	sld [smem:$0x3FDB];
	_ =	sdelay $0x1  }
0x99: {  	s4 =	simm.s32 $_scs_section_size  }
0x9a: {  	s5 =	simm.s32 $_size__tile_overlayer_lowered;
	s6 =	simm.s32 $_tile_overlayer_lowered  }
0x9b: {  	s22 =	simm.s32 $0x1BFF;
	s21 =	sshll.u32 s6, $0x1;
	s3 =	sadd.s32 s4, s19  }
0x9c: {  	s7 =	simm.s32 $0x0;
	s20 =	sshll.u32 s5, $0x1;
	s5 =	sadd.s32 s21, s3  }
0x9d: {  	[timem:s7], [sflag:s22] =	dma.local [hbm:s5], s20  }
0x9e: {  	_ =	swait.ge [sflag:s22], s20  }
0x9f: {  	s4 =	ssub.s32 $0x0, s20;
	[sflag:s22] =	ssyncset.done $0x0  }
0xa0: {  	[sflag:s22] =	ssyncadd.s32 s4;
	_ =	sdelay $0x1  }
0xa1: {  	s23 =	simm.s32 $0x1B8B  }
0xa2: {  	_ =	swait.ge [sflag:s23], $0x1  }
0xa3: {  	[sflag:s23] =	ssyncset.done $0x0  }
0xa4: {  	s25 =	simm.s32 $0x1B8E;
	s24 =	sld [smem:$0x3FFE];
	[sflag:s23] =	ssyncadd.s32 $0xFFFFFFFF  }
0xa5: {  	s26 =	simm.s32 $execute0_lowered;
	[smem:$0x3FD2] =	sst s25  }
0xa6: {  	s5 =	sshll.u32 s26, $0x1;
	_ =	strace $0x80000046;
	[dreg:$0x1] =	wrdreg $0xFFFFFFFF  }
0xa7: {  	s28 =	simm.s32 $_size_execute0_lowered;
	s3 =	sadd.s32 s3, s5;
	[dreg:$0x0] =	wrdreg $0x0  }
0xa8: {  	s5 =	sshll.u32 s28, $0x1;
	[dreg:$0x2] =	wrdreg s3  }
0xa9: {  	[dreg:$0x3] =	wrdreg s5  }
0xaa: {  	[dreg:$0x4] =	wrdreg $0xC0  }
0xab: {  	_ =	task [dreg:s7], $0x5FFFF  }
0xac: {  	[dreg:$0x1] =	wrdreg $0xFFFFFFFF  }
0xad: {  	[dreg:$0x0] =	wrdreg $0x60  }
0xae: {  	[dreg:$0x2] =	wrdreg s24  }
0xaf: {  	[dreg:$0x3] =	wrdreg s2  }
0xb0: {  	[dreg:$0x4] =	wrdreg $0x9  }
0xb1: {  	_ =	task.clear_ibuf [dreg:s7], $0x5FFFF;
	_ =	strace $0x90000046  }
0xb2: {  	s29 =	simm.s32 $0x9;
	_ =	strace $0x80000048  }
0xb3: {  	_ =	swait.ge [sflag:s29], $0x1  }
0xb4: {  	[sflag:s29] =	ssyncadd.s32 $0xFFFFFFFF  }
0xb5: {  	_ =	strace $0x90000048  }
0xb6: {  	_ =	sfence  }
0xb7: {  	s30 =	sld [smem:$0x0];
	_ =	sdelay $0x2  }
0xb8: {  	s31 =	sshll.u32 s1, $0xD;
	s1 =	sshrl.u32 s1, $0x2  }
0xb9: {  	s3 =	sand.u32 $0x4000, s31;
	s1 =	sadd.s32 s1, s30  }
0xba: {  	s0 =	sor.u32 s3, s0;
	s1 =	sshll.u32 s1, $0x11  }
0xbb: {  	s0 =	sor.u32 s1, s0  }
0xbc: {  	s0 =	sadd.s32 $0x8F2B, s0  }
0xbd: {  	[sflag:s0] =	ssyncadd.remote.s32 $0x1  }
0xbe: {  	_ =	sfence.sel $0xFFFF  }
0xbf: {  	[dreg:$0x0] =	wrdreg $0xFFFFFFFF;
	(pc) =	sbr.abs _section_cstart, $3  }
0xc0: {  	[dreg:$0x1] =	wrdreg $0xFFFFFFFF  }
0xc1: {  	_ =	task.clear_ibuf [dreg:s7], $0x2FFFF;
	_ =	strace $0x9FFFFFFF  }
0xc2: {  	(tm) =	ssettm $0x7FFFFFFF  }
0xc3: {  	_ =	shalt  }
tec
execute0_lowered:
.L_overlay_start_1:
0x0: {  	(tag) =	ssettag $0x1  }
0x1: {  	s1 =	srdreg.scid  }
0x2: {  	s0 =	stileid.u32;
	s3 =	rddreg [dreg:$0x0];
	s4 =	sand.u32 $0x1, s1  }
0x3: {  	s5 =	rddreg [dreg:$0x1];
	s8 =	sshll.u32 s0, $0x3;
	s2 =	sshll.u32 s4, $0x2  }
0x4: {  	s1 =	rddreg [dreg:$0x2];
	s6 =	sor.u32 s2, s8;
	s2 =	simm.s32 $0x0  }
0x5: {  	[smem:$0x7FF] =	sst s2;
	s5 =	sadd.s32 s5, s6  }
0x6: {  	s10 =	simm.s32 $0x480;
	_ =	strace $0x80000047;
	[dreg:$0x3] =	wrdreg s5  }
0x7: {  	s11 =	simm.s32 $0x880;
	[dreg:$0x5] =	wrdreg s10  }
0x8: {  	s12 =	simm.s32 $0x100;
	[dreg:$0x6] =	wrdreg s11  }
0x9: {  	s13 =	simm.s32 $0x500;
	[dreg:$0x7] =	wrdreg s12  }
0xa: {  	s14 =	simm.s32 $0x900;
	[dreg:$0x8] =	wrdreg s13  }
0xb: {  	s15 =	simm.s32 $0x180;
	[dreg:$0x9] =	wrdreg s14  }
0xc: {  	s16 =	simm.s32 $0x580;
	[dreg:$0xa] =	wrdreg s15  }
0xd: {  	s17 =	simm.s32 $0x980;
	[dreg:$0xb] =	wrdreg s16  }
0xe: {  	s18 =	simm.s32 $0x200;
	[dreg:$0xc] =	wrdreg s17  }
0xf: {  	s19 =	simm.s32 $0x600;
	[dreg:$0xd] =	wrdreg s18  }
0x10: {  	s20 =	simm.s32 $0xA00;
	[dreg:$0xe] =	wrdreg s19  }
0x11: {  	s21 =	simm.s32 $0x280;
	[dreg:$0xf] =	wrdreg s20  }
0x12: {  	s22 =	simm.s32 $0x680;
	[dreg:$0x10] =	wrdreg s21  }
0x13: {  	s23 =	simm.s32 $0xA80;
	[dreg:$0x11] =	wrdreg s22  }
0x14: {  	s24 =	simm.s32 $0x300;
	[dreg:$0x12] =	wrdreg s23  }
0x15: {  	s25 =	simm.s32 $0x700;
	[dreg:$0x13] =	wrdreg s24  }
0x16: {  	s26 =	simm.s32 $0xB00;
	[dreg:$0x14] =	wrdreg s25  }
0x17: {  	s28 =	simm.s32 $0x380;
	[dreg:$0x15] =	wrdreg s26  }
0x18: {  	s29 =	simm.s32 $0x780;
	[dreg:$0x16] =	wrdreg s28  }
0x19: {  	s30 =	simm.s32 $0xB80;
	[dreg:$0x17] =	wrdreg s29  }
0x1a: {  	s31 =	simm.s32 $0x400;
	[dreg:$0x18] =	wrdreg s30  }
0x1b: {  	s7 =	smul.u32 $0x180, s6;
	s6 =	simm.s32 $0x800;
	[dreg:$0x19] =	wrdreg s31  }
0x1c: {  	s8 =	simm.s32 $0xC80;
	[dreg:$0x1a] =	wrdreg s6  }
0x1d: {  	[dreg:$0x1c] =	wrdreg s8;
	s10 =	simm.s32 $0x1480  }
0x1e: {  	s11 =	simm.s32 $0xD00;
	[dreg:$0x1e] =	wrdreg s10  }
0x1f: {  	s12 =	simm.s32 $0x1100;
	[dreg:$0x1f] =	wrdreg s11  }
0x20: {  	s13 =	simm.s32 $0x1500;
	[smem:$0x7BA] =	sst s12  }
0x21: {  	s14 =	simm.s32 $0xD80;
	[smem:$0x7BB] =	sst s13  }
0x22: {  	s15 =	simm.s32 $0x1180;
	[smem:$0x7BC] =	sst s14  }
0x23: {  	s16 =	simm.s32 $0x1580;
	[smem:$0x7BD] =	sst s15  }
0x24: {  	s17 =	simm.s32 $0xE00;
	[smem:$0x7BE] =	sst s16  }
0x25: {  	s18 =	simm.s32 $0x1200;
	[smem:$0x7BF] =	sst s17  }
0x26: {  	s19 =	simm.s32 $0x1600;
	[smem:$0x7C0] =	sst s18  }
0x27: {  	s20 =	simm.s32 $0xE80;
	[smem:$0x7C1] =	sst s19  }
0x28: {  	s21 =	simm.s32 $0x1280;
	[smem:$0x7C2] =	sst s20  }
0x29: {  	s22 =	simm.s32 $0x1680;
	[smem:$0x7C3] =	sst s21  }
0x2a: {  	s23 =	simm.s32 $0xF00;
	[smem:$0x7C4] =	sst s22  }
0x2b: {  	s24 =	simm.s32 $0x1300;
	[smem:$0x7C5] =	sst s23  }
0x2c: {  	s25 =	simm.s32 $0x1700;
	[smem:$0x7C6] =	sst s24  }
0x2d: {  	s26 =	simm.s32 $0xF80;
	[smem:$0x7C7] =	sst s25  }
0x2e: {  	s28 =	simm.s32 $0x1380;
	[smem:$0x7C8] =	sst s26  }
0x2f: {  	s29 =	simm.s32 $0x1780;
	[smem:$0x7C9] =	sst s28  }
0x30: {  	s30 =	simm.s32 $0x1000;
	[smem:$0x7CA] =	sst s29  }
0x31: {  	s31 =	simm.s32 $0x1400;
	[smem:$0x7CB] =	sst s30  }
0x32: {  	s6 =	simm.s32 $0x1800;
	[smem:$0x7CC] =	sst s31  }
0x33: {  	s8 =	simm.s32 $0x1C80;
	[smem:$0x7CD] =	sst s6  }
0x34: {  	[smem:$0x7CF] =	sst s8;
	s10 =	simm.s32 $0x1900  }
0x35: {  	s11 =	simm.s32 $0x1D00;
	[smem:$0x7D1] =	sst s10  }
0x36: {  	s12 =	simm.s32 $0x2100;
	[smem:$0x7D2] =	sst s11  }
0x37: {  	s13 =	simm.s32 $0x1980;
	[smem:$0x7D3] =	sst s12  }
0x38: {  	s14 =	simm.s32 $0x1D80;
	[smem:$0x7D4] =	sst s13  }
0x39: {  	s15 =	simm.s32 $0x2180;
	[smem:$0x7D5] =	sst s14  }
0x3a: {  	s16 =	simm.s32 $0x1A00;
	[smem:$0x7D6] =	sst s15  }
0x3b: {  	s17 =	simm.s32 $0x1E00;
	[smem:$0x7D7] =	sst s16  }
0x3c: {  	s18 =	simm.s32 $0x2200;
	[smem:$0x7D8] =	sst s17  }
0x3d: {  	s19 =	simm.s32 $0x1A80;
	[smem:$0x7D9] =	sst s18  }
0x3e: {  	s20 =	simm.s32 $0x1E80;
	[smem:$0x7DA] =	sst s19  }
0x3f: {  	s21 =	simm.s32 $0x2280;
	[smem:$0x7DB] =	sst s20  }
0x40: {  	s22 =	simm.s32 $0x1B00;
	[smem:$0x7DC] =	sst s21  }
0x41: {  	s23 =	simm.s32 $0x1F00;
	[smem:$0x7DD] =	sst s22  }
0x42: {  	s24 =	simm.s32 $0x2300;
	[smem:$0x7DE] =	sst s23  }
0x43: {  	s25 =	simm.s32 $0x1B80;
	[smem:$0x7DF] =	sst s24  }
0x44: {  	s26 =	simm.s32 $0x1F80;
	[smem:$0x7E0] =	sst s25  }
0x45: {  	s28 =	simm.s32 $0x2380;
	[smem:$0x7E1] =	sst s26  }
0x46: {  	s29 =	simm.s32 $0x1C00;
	[smem:$0x7E2] =	sst s28  }
0x47: {  	s30 =	simm.s32 $0x2000;
	[smem:$0x7E3] =	sst s29  }
0x48: {  	s31 =	simm.s32 $0x2400;
	[smem:$0x7E4] =	sst s30  }
0x49: {  	s6 =	simm.s32 $0x2480;
	[smem:$0x7E5] =	sst s31  }
0x4a: {  	s7 =	sadd.s32 s7, s3;
	s8 =	simm.s32 $0x2C80;
	[smem:$0x7E6] =	sst s6  }
0x4b: {  	s9 =	sadd.s32 $0x494000, s7;
	[smem:$0x7E8] =	sst s8  }
0x4c: {  	s7 =	simm.s32 $0xC00;
	[dreg:$0x4] =	wrdreg s9  }
0x4d: {  	s10 =	simm.s32 $0x2900;
	[dreg:$0x1b] =	wrdreg s7  }
0x4e: {  	s11 =	simm.s32 $0x2D00;
	[smem:$0x7EA] =	sst s10  }
0x4f: {  	s12 =	simm.s32 $0x2580;
	[smem:$0x7EB] =	sst s11  }
0x50: {  	s13 =	simm.s32 $0x2980;
	[smem:$0x7EC] =	sst s12  }
0x51: {  	s14 =	simm.s32 $0x2D80;
	[smem:$0x7ED] =	sst s13  }
0x52: {  	s15 =	simm.s32 $0x2600;
	[smem:$0x7EE] =	sst s14  }
0x53: {  	s16 =	simm.s32 $0x2A00;
	[smem:$0x7EF] =	sst s15  }
0x54: {  	s17 =	simm.s32 $0x2E00;
	[smem:$0x7F0] =	sst s16  }
0x55: {  	s18 =	simm.s32 $0x2680;
	[smem:$0x7F1] =	sst s17  }
0x56: {  	s19 =	simm.s32 $0x2A80;
	[smem:$0x7F2] =	sst s18  }
0x57: {  	s20 =	simm.s32 $0x2E80;
	[smem:$0x7F3] =	sst s19  }
0x58: {  	s21 =	simm.s32 $0x2700;
	[smem:$0x7F4] =	sst s20  }
0x59: {  	s22 =	simm.s32 $0x2B00;
	[smem:$0x7F5] =	sst s21  }
0x5a: {  	s23 =	simm.s32 $0x2F00;
	[smem:$0x7F6] =	sst s22  }
0x5b: {  	s24 =	simm.s32 $0x2780;
	[smem:$0x7F7] =	sst s23  }
0x5c: {  	s25 =	simm.s32 $0x2B80;
	[smem:$0x7F8] =	sst s24  }
0x5d: {  	s28 =	simm.s32 $0x2F80;
	[smem:$0x7F9] =	sst s25  }
0x5e: {  	s29 =	simm.s32 $0x2800;
	[smem:$0x7FA] =	sst s28  }
0x5f: {  	s30 =	simm.s32 $0x2C00;
	[smem:$0x7FB] =	sst s29  }
0x60: {  	s4 =	ssub.s32 $0x2, s4;
	s31 =	simm.s32 $0x3000;
	[smem:$0x7FC] =	sst s30  }
0x61: {  	vm0 =	vmmov $0x1;
	s5 =	simm.s32 $0x2;
	s9 =	simm.s32 $0x1080;
	[smem:$0x7FD] =	sst s31  }
0x62: {  	vm1 =	vcmask $0x308;
	vm2 =	vcmask $0x70C;
	vm3 =	vcmask $0xB10;
	s3 =	sadd.s32 $0x200, s3;
	s7 =	simm.s32 $0x1880;
	[dreg:$0x1d] =	wrdreg s9  }
0x63: {  	vm4 =	vcmask $0xF14;
	vm5 =	vcmask $0x1318;
	vm6 =	vcmask $0x171C;
	s26 =	sshrl.u32 s4, $0x1;
	[smem:$0x7CE] =	sst s7;
	s9 =	simm.s32 $0x2080  }
0x64: {  	vm7 =	vcmask $0x1B20;
	vm8 =	vcmask $0x1F24;
	vm9 =	vcmask $0x2328;
	s6 =	simm.s32 $0x80;
	s7 =	simm.s32 $0x2880;
	[smem:$0x7D0] =	sst s9  }
0x65: {  	vm10 =	vcmask $0x272C;
	vm11 =	vcmask $0x2B30;
	vm12 =	vcmask $0x2F34;
	s4 =	ssub.s32 s4, s26;
	[smem:$0x7E7] =	sst s7;
	s9 =	simm.s32 $0x2500  }
0x66: {  	vm13 =	vcmask $0x3338;
	vm14 =	vcmask $0x373C;
	vm15 =	vmmov $0x7fff;
	s4 =	smax.u32 s4, $0x1;
	s7 =	simm.s32 $0x1;
	[smem:$0x7E9] =	sst s9  }
.LBB2_1:
0x67: {  	s8 =	rddreg [dreg:$0x3]  }
0x68: {  	[tilespmem:s2], [sflag:$0x2] =	stream.linear.gather [hbm4b:s8+s2], $0x20, $0x38;
	[tilespmem:$0x3080] =	vst v63  }
0x69: {  	_ =	swait.ge [sflag:s5], $0x20  }
0x6a: {  	[sflag:s5] =	ssyncset.done $0x0  }
0x6b: {  	[sflag:s5] =	ssyncadd.s32 $0xFFFFFFE0  }
0x6c: {  	v0 =	vld [tilespmem:$0x0];
	_ =	sdelay $0x4  }
0x6d: {  	v1 =	vnsel vm0, $0xFFFFFFFF, v0  }
0x6e: {  	v1 =	vxor.u32 $0x80000000, v1  }
0x6f: {  	(xrf0) =	vmax.scan.msk.u32 $0xffff, v1;
	_ =	sdelay $0x5  }
0x70: {  	v34 =	vsel vm1, $0xFFFFFFFF, v0;
	v1, _, _ =	vpop (xrf0)  }
0x71: {  	(v2sf) =	vpush v1, $0xF;
	v1 =	vxor.u32 $0x80000000, v34  }
0x72: {  	(xrf0) =	vmax.scan.msk.u32 $0xffff, v1;
	_ =	sdelay $0x5  }
0x73: {  	v1, _, _ =	vpop (xrf0)  }
0x74: {  	(v2sf) =	vpush v1, $0xF  }
0x75: {  	v35 =	vsel vm2, $0xFFFFFFFF, v0  }
0x76: {  	v1 =	vxor.u32 $0x80000000, v35  }
0x77: {  	(xrf0) =	vmax.scan.msk.u32 $0xffff, v1;
	_ =	sdelay $0x3  }
0x78: {  	s22 =	spop (v2sf)  }
0x79: {  	s9 =	sshrl.u32 s22, $0x3  }
0x7a: {  	v1, _, _ =	vpop (xrf0);
	s8 =	sshll.u32 s22, $0x7;
	s9 =	smul.u32 $0xC00, s9  }
0x7b: {  	(v2sf) =	vpush v1, $0xF;
	s8 =	sand.u32 $0x380, s8  }
0x7c: {  	v36 =	vsel vm3, $0xFFFFFFFF, v0;
	s8 =	sor.u32 s8, s9  }
0x7d: {  	v1 =	vxor.u32 $0x80000000, v36;
	s8 =	sshrl.u32 s8, $0x3  }
0x7e: {  	(xrf0) =	vmax.scan.msk.u32 $0xffff, v1;
	s8 =	sadd.s32 s3, s8  }
0x7f: {  	[tilespmem:s6], [sflag:$0x1] =	stream.linear.gather [hbm4b:s8+s2], $0x80, $0x38;
	[tilespmem:$0x3080] =	vst v63  }
0x80: {  	s23 =	rddreg [dreg:$0x5];
	s10 =	sadd.s32 $0x80, s8;
	s24 =	spop (v2sf)  }
0x81: {  	[tilespmem:s23], [sflag:$0x1] =	stream.linear.gather [hbm4b:s10+s2], $0x80, $0x38;
	[tilespmem:$0x3080] =	vst v63  }
0x82: {  	s11 =	rddreg [dreg:$0x6];
	s8 =	sadd.s32 $0x100, s8;
	s25 =	sshrl.u32 s24, $0x3  }
0x83: {  	[tilespmem:s11], [sflag:$0x1] =	stream.linear.gather [hbm4b:s8+s2], $0x80, $0x38;
	[tilespmem:$0x3080] =	vst v63  }
0x84: {  	v1, _, _ =	vpop (xrf0);
	s9 =	smul.u32 $0xC00, s25;
	s8 =	sshll.u32 s24, $0x7  }
0x85: {  	(v2sf) =	vpush v1, $0xF;
	s8 =	sand.u32 $0x380, s8  }
0x86: {  	v37 =	vsel vm4, $0xFFFFFFFF, v0;
	s8 =	sor.u32 s8, s9  }
0x87: {  	v1 =	vxor.u32 $0x80000000, v37;
	s8 =	sshrl.u32 s8, $0x3  }
0x88: {  	s26 =	rddreg [dreg:$0x7];
	(xrf0) =	vmax.scan.msk.u32 $0xffff, v1;
	s8 =	sadd.s32 s3, s8  }
0x89: {  	[tilespmem:s26], [sflag:$0x1] =	stream.linear.gather [hbm4b:s8+s2], $0x80, $0x38;
	[tilespmem:$0x3080] =	vst v63  }
0x8a: {  	s28 =	rddreg [dreg:$0x8];
	s29 =	sadd.s32 $0x80, s8;
	s31 =	spop (v2sf)  }
0x8b: {  	[tilespmem:s28], [sflag:$0x1] =	stream.linear.gather [hbm4b:s29+s2], $0x80, $0x38;
	[tilespmem:$0x3080] =	vst v63  }
0x8c: {  	s30 =	rddreg [dreg:$0x9];
	s8 =	sadd.s32 $0x100, s8;
	s10 =	sshrl.u32 s31, $0x3  }
0x8d: {  	[tilespmem:s30], [sflag:$0x1] =	stream.linear.gather [hbm4b:s8+s2], $0x80, $0x38;
	[tilespmem:$0x3080] =	vst v63  }
0x8e: {  	v1, _, _ =	vpop (xrf0);
	s9 =	smul.u32 $0xC00, s10;
	s8 =	sshll.u32 s31, $0x7  }
0x8f: {  	(v2sf) =	vpush v1, $0xF;
	s8 =	sand.u32 $0x380, s8  }
0x90: {  	v38 =	vsel vm5, $0xFFFFFFFF, v0;
	s8 =	sor.u32 s8, s9  }
0x91: {  	v1 =	vxor.u32 $0x80000000, v38;
	s8 =	sshrl.u32 s8, $0x3  }
0x92: {  	s11 =	rddreg [dreg:$0xa];
	(xrf0) =	vmax.scan.msk.u32 $0xffff, v1;
	s8 =	sadd.s32 s3, s8  }
0x93: {  	[tilespmem:s11], [sflag:$0x1] =	stream.linear.gather [hbm4b:s8+s2], $0x80, $0x38;
	[tilespmem:$0x3080] =	vst v63  }
0x94: {  	s12 =	rddreg [dreg:$0xb];
	s15 =	spop (v2sf);
	s13 =	sadd.s32 $0x80, s8  }
0x95: {  	[tilespmem:s12], [sflag:$0x1] =	stream.linear.gather [hbm4b:s13+s2], $0x80, $0x38;
	[tilespmem:$0x3080] =	vst v63  }
0x96: {  	s14 =	rddreg [dreg:$0xc];
	s8 =	sadd.s32 $0x100, s8;
	s16 =	sshrl.u32 s15, $0x3  }
0x97: {  	[tilespmem:s14], [sflag:$0x1] =	stream.linear.gather [hbm4b:s8+s2], $0x80, $0x38;
	[tilespmem:$0x3080] =	vst v63  }
0x98: {  	v1, _, _ =	vpop (xrf0);
	s9 =	smul.u32 $0xC00, s16;
	s8 =	sshll.u32 s15, $0x7  }
0x99: {  	(v2sf) =	vpush v1, $0xF;
	s8 =	sand.u32 $0x380, s8  }
0x9a: {  	v39 =	vsel vm6, $0xFFFFFFFF, v0;
	s8 =	sor.u32 s8, s9  }
0x9b: {  	v1 =	vxor.u32 $0x80000000, v39;
	s8 =	sshrl.u32 s8, $0x3  }
0x9c: {  	s17 =	rddreg [dreg:$0xd];
	(xrf0) =	vmax.scan.msk.u32 $0xffff, v1;
	s8 =	sadd.s32 s3, s8  }
0x9d: {  	[tilespmem:s17], [sflag:$0x1] =	stream.linear.gather [hbm4b:s8+s2], $0x80, $0x38;
	[tilespmem:$0x3080] =	vst v63  }
0x9e: {  	s18 =	rddreg [dreg:$0xe];
	s21 =	spop (v2sf);
	s19 =	sadd.s32 $0x80, s8  }
0x9f: {  	[tilespmem:s18], [sflag:$0x1] =	stream.linear.gather [hbm4b:s19+s2], $0x80, $0x38;
	[tilespmem:$0x3080] =	vst v63  }
0xa0: {  	s20 =	rddreg [dreg:$0xf];
	s22 =	sshrl.u32 s21, $0x3;
	s8 =	sadd.s32 $0x100, s8  }
0xa1: {  	[tilespmem:s20], [sflag:$0x1] =	stream.linear.gather [hbm4b:s8+s2], $0x80, $0x38;
	[tilespmem:$0x3080] =	vst v63  }
0xa2: {  	v1, _, _ =	vpop (xrf0);
	s9 =	smul.u32 $0xC00, s22;
	s8 =	sshll.u32 s21, $0x7  }
0xa3: {  	(v2sf) =	vpush v1, $0xF;
	s8 =	sand.u32 $0x380, s8  }
0xa4: {  	v40 =	vsel vm7, $0xFFFFFFFF, v0;
	s8 =	sor.u32 s8, s9  }
0xa5: {  	v1 =	vxor.u32 $0x80000000, v40;
	s8 =	sshrl.u32 s8, $0x3  }
0xa6: {  	s23 =	rddreg [dreg:$0x10];
	(xrf0) =	vmax.scan.msk.u32 $0xffff, v1;
	s8 =	sadd.s32 s3, s8  }
0xa7: {  	[tilespmem:s23], [sflag:$0x1] =	stream.linear.gather [hbm4b:s8+s2], $0x80, $0x38;
	[tilespmem:$0x3080] =	vst v63  }
0xa8: {  	s24 =	rddreg [dreg:$0x11];
	s28 =	spop (v2sf);
	s25 =	sadd.s32 $0x80, s8  }
0xa9: {  	[tilespmem:s24], [sflag:$0x1] =	stream.linear.gather [hbm4b:s25+s2], $0x80, $0x38;
	[tilespmem:$0x3080] =	vst v63  }
0xaa: {  	s26 =	rddreg [dreg:$0x12];
	s29 =	sshrl.u32 s28, $0x3;
	s8 =	sadd.s32 $0x100, s8  }
0xab: {  	[tilespmem:s26], [sflag:$0x1] =	stream.linear.gather [hbm4b:s8+s2], $0x80, $0x38;
	[tilespmem:$0x3080] =	vst v63  }
0xac: {  	v1, _, _ =	vpop (xrf0);
	s9 =	smul.u32 $0xC00, s29;
	s8 =	sshll.u32 s28, $0x7  }
0xad: {  	(v2sf) =	vpush v1, $0xF;
	s8 =	sand.u32 $0x380, s8  }
0xae: {  	v41 =	vsel vm8, $0xFFFFFFFF, v0;
	s8 =	sor.u32 s8, s9  }
0xaf: {  	v1 =	vxor.u32 $0x80000000, v41;
	s8 =	sshrl.u32 s8, $0x3  }
0xb0: {  	s30 =	rddreg [dreg:$0x13];
	(xrf0) =	vmax.scan.msk.u32 $0xffff, v1;
	s8 =	sadd.s32 s3, s8  }
0xb1: {  	[tilespmem:s30], [sflag:$0x1] =	stream.linear.gather [hbm4b:s8+s2], $0x80, $0x38;
	[tilespmem:$0x3080] =	vst v63  }
0xb2: {  	s31 =	rddreg [dreg:$0x14];
	s13 =	spop (v2sf);
	s11 =	sadd.s32 $0x80, s8  }
0xb3: {  	[tilespmem:s31], [sflag:$0x1] =	stream.linear.gather [hbm4b:s11+s2], $0x80, $0x38;
	[tilespmem:$0x3080] =	vst v63  }
0xb4: {  	s12 =	rddreg [dreg:$0x15];
	s14 =	sshrl.u32 s13, $0x3;
	s8 =	sadd.s32 $0x100, s8  }
0xb5: {  	[tilespmem:s12], [sflag:$0x1] =	stream.linear.gather [hbm4b:s8+s2], $0x80, $0x38;
	[tilespmem:$0x3080] =	vst v63  }
0xb6: {  	v1, _, _ =	vpop (xrf0);
	s9 =	smul.u32 $0xC00, s14;
	s8 =	sshll.u32 s13, $0x7  }
0xb7: {  	(v2sf) =	vpush v1, $0xF;
	s8 =	sand.u32 $0x380, s8  }
0xb8: {  	v42 =	vsel vm9, $0xFFFFFFFF, v0;
	s8 =	sor.u32 s8, s9  }
0xb9: {  	v1 =	vxor.u32 $0x80000000, v42;
	s8 =	sshrl.u32 s8, $0x3  }
0xba: {  	s15 =	rddreg [dreg:$0x16];
	(xrf0) =	vmax.scan.msk.u32 $0xffff, v1;
	s8 =	sadd.s32 s3, s8  }
0xbb: {  	[tilespmem:s15], [sflag:$0x1] =	stream.linear.gather [hbm4b:s8+s2], $0x80, $0x38;
	[tilespmem:$0x3080] =	vst v63  }
0xbc: {  	s16 =	rddreg [dreg:$0x17];
	s19 =	spop (v2sf);
	s17 =	sadd.s32 $0x80, s8  }
0xbd: {  	[tilespmem:s16], [sflag:$0x1] =	stream.linear.gather [hbm4b:s17+s2], $0x80, $0x38;
	[tilespmem:$0x3080] =	vst v63  }
0xbe: {  	s18 =	rddreg [dreg:$0x18];
	s20 =	sshrl.u32 s19, $0x3;
	s8 =	sadd.s32 $0x100, s8  }
0xbf: {  	[tilespmem:s18], [sflag:$0x1] =	stream.linear.gather [hbm4b:s8+s2], $0x80, $0x38;
	[tilespmem:$0x3080] =	vst v63  }
0xc0: {  	v1, _, _ =	vpop (xrf0);
	s9 =	smul.u32 $0xC00, s20;
	s8 =	sshll.u32 s19, $0x7  }
0xc1: {  	(v2sf) =	vpush v1, $0xF;
	s8 =	sand.u32 $0x380, s8  }
0xc2: {  	v43 =	vsel vm10, $0xFFFFFFFF, v0;
	s8 =	sor.u32 s8, s9  }
0xc3: {  	v1 =	vxor.u32 $0x80000000, v43;
	s8 =	sshrl.u32 s8, $0x3  }
0xc4: {  	s21 =	rddreg [dreg:$0x19];
	(xrf0) =	vmax.scan.msk.u32 $0xffff, v1;
	s8 =	sadd.s32 s3, s8  }
0xc5: {  	[tilespmem:s21], [sflag:$0x1] =	stream.linear.gather [hbm4b:s8+s2], $0x80, $0x38;
	[tilespmem:$0x3080] =	vst v63  }
0xc6: {  	s22 =	rddreg [dreg:$0x1a];
	s25 =	spop (v2sf);
	s23 =	sadd.s32 $0x80, s8  }
0xc7: {  	[tilespmem:s22], [sflag:$0x1] =	stream.linear.gather [hbm4b:s23+s2], $0x80, $0x38;
	[tilespmem:$0x3080] =	vst v63  }
0xc8: {  	s24 =	rddreg [dreg:$0x1b];
	s26 =	sshrl.u32 s25, $0x3;
	s8 =	sadd.s32 $0x100, s8  }
0xc9: {  	[tilespmem:s24], [sflag:$0x1] =	stream.linear.gather [hbm4b:s8+s2], $0x80, $0x38;
	[tilespmem:$0x3080] =	vst v63  }
0xca: {  	v1, _, _ =	vpop (xrf0);
	s9 =	smul.u32 $0xC00, s26;
	s8 =	sshll.u32 s25, $0x7  }
0xcb: {  	(v2sf) =	vpush v1, $0xF;
	s8 =	sand.u32 $0x380, s8  }
0xcc: {  	v44 =	vsel vm11, $0xFFFFFFFF, v0;
	s8 =	sor.u32 s8, s9  }
0xcd: {  	v1 =	vxor.u32 $0x80000000, v44;
	s8 =	sshrl.u32 s8, $0x3  }
0xce: {  	s28 =	rddreg [dreg:$0x1c];
	(xrf0) =	vmax.scan.msk.u32 $0xffff, v1;
	s8 =	sadd.s32 s3, s8  }
0xcf: {  	[tilespmem:s28], [sflag:$0x1] =	stream.linear.gather [hbm4b:s8+s2], $0x80, $0x38;
	[tilespmem:$0x3080] =	vst v63  }
0xd0: {  	s29 =	rddreg [dreg:$0x1d];
	s12 =	spop (v2sf);
	s30 =	sadd.s32 $0x80, s8  }
0xd1: {  	[tilespmem:s29], [sflag:$0x1] =	stream.linear.gather [hbm4b:s30+s2], $0x80, $0x38;
	[tilespmem:$0x3080] =	vst v63  }
0xd2: {  	s31 =	rddreg [dreg:$0x1e];
	s13 =	sshrl.u32 s12, $0x3;
	s8 =	sadd.s32 $0x100, s8  }
0xd3: {  	[tilespmem:s31], [sflag:$0x1] =	stream.linear.gather [hbm4b:s8+s2], $0x80, $0x38;
	[tilespmem:$0x3080] =	vst v63  }
0xd4: {  	v1, _, _ =	vpop (xrf0);
	s9 =	smul.u32 $0xC00, s13;
	s8 =	sshll.u32 s12, $0x7  }
0xd5: {  	(v2sf) =	vpush v1, $0xF;
	s8 =	sand.u32 $0x380, s8  }
0xd6: {  	v45 =	vsel vm12, $0xFFFFFFFF, v0;
	s8 =	sor.u32 s8, s9  }
0xd7: {  	s14 =	rddreg [dreg:$0x1f];
	v1 =	vxor.u32 $0x80000000, v45;
	s8 =	sshrl.u32 s8, $0x3  }
0xd8: {  	s15 =	sld [smem:$0x7BA];
	(xrf0) =	vmax.scan.msk.u32 $0xffff, v1;
	s8 =	sadd.s32 s3, s8  }
0xd9: {  	[tilespmem:s14], [sflag:$0x1] =	stream.linear.gather [hbm4b:s8+s2], $0x80, $0x38;
	[tilespmem:$0x3080] =	vst v63  }
0xda: {  	s17 =	sld [smem:$0x7BB];
	s18 =	spop (v2sf);
	s16 =	sadd.s32 $0x80, s8  }
0xdb: {  	[tilespmem:s15], [sflag:$0x1] =	stream.linear.gather [hbm4b:s16+s2], $0x80, $0x38;
	[tilespmem:$0x3080] =	vst v63  }
0xdc: {  	s19 =	sshrl.u32 s18, $0x3;
	s8 =	sadd.s32 $0x100, s8  }
0xdd: {  	[tilespmem:s17], [sflag:$0x1] =	stream.linear.gather [hbm4b:s8+s2], $0x80, $0x38;
	[tilespmem:$0x3080] =	vst v63  }
0xde: {  	v1, _, _ =	vpop (xrf0);
	s9 =	smul.u32 $0xC00, s19;
	s8 =	sshll.u32 s18, $0x7  }
0xdf: {  	(v2sf) =	vpush v1, $0xF;
	s8 =	sand.u32 $0x380, s8  }
0xe0: {  	v46 =	vsel vm13, $0xFFFFFFFF, v0;
	s20 =	sld [smem:$0x7BC];
	s8 =	sor.u32 s8, s9  }
0xe1: {  	v1 =	vxor.u32 $0x80000000, v46;
	s8 =	sshrl.u32 s8, $0x3  }
0xe2: {  	s21 =	sld [smem:$0x7BD];
	(xrf0) =	vmax.scan.msk.u32 $0xffff, v1;
	s8 =	sadd.s32 s3, s8  }
0xe3: {  	[tilespmem:s20], [sflag:$0x1] =	stream.linear.gather [hbm4b:s8+s2], $0x80, $0x38;
	[tilespmem:$0x3080] =	vst v63  }
0xe4: {  	s23 =	sld [smem:$0x7BE];
	s24 =	spop (v2sf);
	s22 =	sadd.s32 $0x80, s8  }
0xe5: {  	[tilespmem:s21], [sflag:$0x1] =	stream.linear.gather [hbm4b:s22+s2], $0x80, $0x38;
	[tilespmem:$0x3080] =	vst v63  }
0xe6: {  	s25 =	sshrl.u32 s24, $0x3;
	s8 =	sadd.s32 $0x100, s8  }
0xe7: {  	[tilespmem:s23], [sflag:$0x1] =	stream.linear.gather [hbm4b:s8+s2], $0x80, $0x38;
	[tilespmem:$0x3080] =	vst v63  }
0xe8: {  	v1, _, _ =	vpop (xrf0);
	s9 =	smul.u32 $0xC00, s25;
	s8 =	sshll.u32 s24, $0x7  }
0xe9: {  	(v2sf) =	vpush v1, $0xF;
	s8 =	sand.u32 $0x380, s8  }
0xea: {  	v47 =	vsel vm14, $0xFFFFFFFF, v0;
	s26 =	sld [smem:$0x7BF];
	s8 =	sor.u32 s8, s9  }
0xeb: {  	v1 =	vxor.u32 $0x80000000, v47;
	s8 =	sshrl.u32 s8, $0x3  }
0xec: {  	s28 =	sld [smem:$0x7C0];
	(xrf0) =	vmax.scan.msk.u32 $0xffff, v1;
	s8 =	sadd.s32 s3, s8  }
0xed: {  	[tilespmem:s26], [sflag:$0x1] =	stream.linear.gather [hbm4b:s8+s2], $0x80, $0x38;
	[tilespmem:$0x3080] =	vst v63  }
0xee: {  	s30 =	sld [smem:$0x7C1];
	s31 =	spop (v2sf);
	s29 =	sadd.s32 $0x80, s8  }
0xef: {  	[tilespmem:s28], [sflag:$0x1] =	stream.linear.gather [hbm4b:s29+s2], $0x80, $0x38;
	[tilespmem:$0x3080] =	vst v63  }
0xf0: {  	s10 =	sshrl.u32 s31, $0x3;
	s8 =	sadd.s32 $0x100, s8  }
0xf1: {  	[tilespmem:s30], [sflag:$0x1] =	stream.linear.gather [hbm4b:s8+s2], $0x80, $0x38;
	[tilespmem:$0x3080] =	vst v63  }
0xf2: {  	v1, _, _ =	vpop (xrf0);
	s9 =	smul.u32 $0xC00, s10;
	s8 =	sshll.u32 s31, $0x7  }
0xf3: {  	(v2sf) =	vpush v1, $0xF;
	s8 =	sand.u32 $0x380, s8  }
0xf4: {  	v0 =	vsel vm15, $0xFFFFFFFF, v0;
	s11 =	sld [smem:$0x7C2];
	s8 =	sor.u32 s8, s9  }
0xf5: {  	v0 =	vxor.u32 $0x80000000, v0;
	s8 =	sshrl.u32 s8, $0x3  }
0xf6: {  	s12 =	sld [smem:$0x7C3];
	(xrf0) =	vmax.scan.msk.u32 $0xffff, v0;
	s8 =	sadd.s32 s3, s8  }
0xf7: {  	[tilespmem:s11], [sflag:$0x1] =	stream.linear.gather [hbm4b:s8+s2], $0x80, $0x38;
	[tilespmem:$0x3080] =	vst v63  }
0xf8: {  	s14 =	sld [smem:$0x7C4];
	s15 =	spop (v2sf);
	s13 =	sadd.s32 $0x80, s8  }
0xf9: {  	[tilespmem:s12], [sflag:$0x1] =	stream.linear.gather [hbm4b:s13+s2], $0x80, $0x38;
	[tilespmem:$0x3080] =	vst v63  }
0xfa: {  	s16 =	sshrl.u32 s15, $0x3;
	s8 =	sadd.s32 $0x100, s8  }
0xfb: {  	[tilespmem:s14], [sflag:$0x1] =	stream.linear.gather [hbm4b:s8+s2], $0x80, $0x38;
	[tilespmem:$0x3080] =	vst v63  }
0xfc: {  	v0, _, _ =	vpop (xrf0);
	s9 =	smul.u32 $0xC00, s16;
	s8 =	sshll.u32 s15, $0x7  }
0xfd: {  	(v2sf) =	vpush v0, $0xF;
	s8 =	sand.u32 $0x380, s8  }
0xfe: {  	s17 =	sld [smem:$0x7C5];
	s8 =	sor.u32 s8, s9  }
0xff: {  	s8 =	sshrl.u32 s8, $0x3  }
0x100: {  	s18 =	sld [smem:$0x7C6];
	s8 =	sadd.s32 s3, s8  }
0x101: {  	[tilespmem:s17], [sflag:$0x1] =	stream.linear.gather [hbm4b:s8+s2], $0x80, $0x38;
	[tilespmem:$0x3080] =	vst v63  }
0x102: {  	s20 =	sld [smem:$0x7C7];
	s21 =	spop (v2sf);
	s19 =	sadd.s32 $0x80, s8  }
0x103: {  	[tilespmem:s18], [sflag:$0x1] =	stream.linear.gather [hbm4b:s19+s2], $0x80, $0x38;
	[tilespmem:$0x3080] =	vst v63  }
0x104: {  	s22 =	sshrl.u32 s21, $0x3;
	s8 =	sadd.s32 $0x100, s8  }
0x105: {  	[tilespmem:s20], [sflag:$0x1] =	stream.linear.gather [hbm4b:s8+s2], $0x80, $0x38;
	[tilespmem:$0x3080] =	vst v63  }
0x106: {  	s9 =	smul.u32 $0xC00, s22;
	s8 =	sshll.u32 s21, $0x7  }
0x107: {  	s8 =	sand.u32 $0x380, s8  }
0x108: {  	s23 =	sld [smem:$0x7C8];
	s8 =	sor.u32 s8, s9  }
0x109: {  	s8 =	sshrl.u32 s8, $0x3  }
0x10a: {  	s24 =	sld [smem:$0x7C9];
	s8 =	sadd.s32 s3, s8  }
0x10b: {  	[tilespmem:s23], [sflag:$0x1] =	stream.linear.gather [hbm4b:s8+s2], $0x80, $0x38;
	[tilespmem:$0x3080] =	vst v63  }
0x10c: {  	s26 =	sld [smem:$0x7CA];
	s28 =	spop (v2sf);
	s25 =	sadd.s32 $0x80, s8  }
0x10d: {  	[tilespmem:s24], [sflag:$0x1] =	stream.linear.gather [hbm4b:s25+s2], $0x80, $0x38;
	[tilespmem:$0x3080] =	vst v63  }
0x10e: {  	s29 =	sshrl.u32 s28, $0x3;
	s8 =	sadd.s32 $0x100, s8  }
0x10f: {  	[tilespmem:s26], [sflag:$0x1] =	stream.linear.gather [hbm4b:s8+s2], $0x80, $0x38;
	[tilespmem:$0x3080] =	vst v63  }
0x110: {  	s9 =	smul.u32 $0xC00, s29;
	s8 =	sshll.u32 s28, $0x7  }
0x111: {  	s8 =	sand.u32 $0x380, s8  }
0x112: {  	s30 =	sld [smem:$0x7CB];
	s8 =	sor.u32 s8, s9  }
0x113: {  	s8 =	sshrl.u32 s8, $0x3  }
0x114: {  	s31 =	sld [smem:$0x7CC];
	s8 =	sadd.s32 s3, s8  }
0x115: {  	[tilespmem:s30], [sflag:$0x1] =	stream.linear.gather [hbm4b:s8+s2], $0x80, $0x38;
	[tilespmem:$0x3080] =	vst v63  }
0x116: {  	s12 =	sld [smem:$0x7CD];
	s11 =	sadd.s32 $0x80, s8  }
0x117: {  	[tilespmem:s31], [sflag:$0x1] =	stream.linear.gather [hbm4b:s11+s2], $0x80, $0x38;
	[tilespmem:$0x3080] =	vst v63  }
0x118: {  	s8 =	sadd.s32 $0x100, s8  }
0x119: {  	[tilespmem:s12], [sflag:$0x1] =	stream.linear.gather [hbm4b:s8+s2], $0x80, $0x38;
	[tilespmem:$0x3080] =	vst v63  }
0x11a: {  	v48 =	vld [tilespmem:$0x10];
	_ =	sdelay $0x4  }
0x11b: {  	v49 =	vnsel vm0, $0xFFFFFFFF, v48  }
0x11c: {  	v1 =	vxor.u32 $0x80000000, v49  }
0x11d: {  	(xrf0) =	vmax.scan.msk.u32 $0xffff, v1;
	_ =	sdelay $0x5  }
0x11e: {  	v50 =	vsel vm1, $0xFFFFFFFF, v48;
	v1, _, _ =	vpop (xrf0)  }
0x11f: {  	(v2sf) =	vpush v1, $0xF;
	v1 =	vxor.u32 $0x80000000, v50  }
0x120: {  	(xrf0) =	vmax.scan.msk.u32 $0xffff, v1;
	_ =	sdelay $0x5  }
0x121: {  	v1, _, _ =	vpop (xrf0)  }
0x122: {  	(v2sf) =	vpush v1, $0xF  }
0x123: {  	v51 =	vsel vm2, $0xFFFFFFFF, v48  }
0x124: {  	v1 =	vxor.u32 $0x80000000, v51  }
0x125: {  	(xrf0) =	vmax.scan.msk.u32 $0xffff, v1;
	_ =	sdelay $0x3  }
0x126: {  	s13 =	spop (v2sf)  }
0x127: {  	s14 =	sshrl.u32 s13, $0x3  }
0x128: {  	v1, _, _ =	vpop (xrf0);
	s8 =	sshll.u32 s13, $0x7;
	s9 =	smul.u32 $0xC00, s14  }
0x129: {  	(v2sf) =	vpush v1, $0xF;
	s8 =	sand.u32 $0x380, s8  }
0x12a: {  	s15 =	sld [smem:$0x7CE];
	v52 =	vsel vm3, $0xFFFFFFFF, v48;
	s8 =	sor.u32 s8, s9  }
0x12b: {  	v1 =	vxor.u32 $0x80000000, v52;
	s8 =	sshrl.u32 s8, $0x3  }
0x12c: {  	s16 =	sld [smem:$0x7CF];
	(xrf0) =	vmax.scan.msk.u32 $0xffff, v1;
	s8 =	sadd.s32 s3, s8  }
0x12d: {  	[tilespmem:s15], [sflag:$0x1] =	stream.linear.gather [hbm4b:s8+s2], $0x80, $0x38;
	[tilespmem:$0x3080] =	vst v63  }
0x12e: {  	s18 =	sld [smem:$0x7D0];
	s17 =	sadd.s32 $0x80, s8;
	s19 =	spop (v2sf)  }
0x12f: {  	[tilespmem:s16], [sflag:$0x1] =	stream.linear.gather [hbm4b:s17+s2], $0x80, $0x38;
	[tilespmem:$0x3080] =	vst v63  }
0x130: {  	s8 =	sadd.s32 $0x100, s8;
	s20 =	sshrl.u32 s19, $0x3  }
0x131: {  	[tilespmem:s18], [sflag:$0x1] =	stream.linear.gather [hbm4b:s8+s2], $0x80, $0x38;
	[tilespmem:$0x3080] =	vst v63  }
0x132: {  	v1, _, _ =	vpop (xrf0);
	s9 =	smul.u32 $0xC00, s20;
	s8 =	sshll.u32 s19, $0x7  }
0x133: {  	(v2sf) =	vpush v1, $0xF;
	s8 =	sand.u32 $0x380, s8  }
0x134: {  	s21 =	sld [smem:$0x7D1];
	v53 =	vsel vm4, $0xFFFFFFFF, v48;
	s8 =	sor.u32 s8, s9  }
0x135: {  	v1 =	vxor.u32 $0x80000000, v53;
	s8 =	sshrl.u32 s8, $0x3  }
0x136: {  	s22 =	sld [smem:$0x7D2];
	(xrf0) =	vmax.scan.msk.u32 $0xffff, v1;
	s8 =	sadd.s32 s3, s8  }
0x137: {  	[tilespmem:s21], [sflag:$0x1] =	stream.linear.gather [hbm4b:s8+s2], $0x80, $0x38;
	[tilespmem:$0x3080] =	vst v63  }
0x138: {  	s24 =	sld [smem:$0x7D3];
	s23 =	sadd.s32 $0x80, s8;
	s25 =	spop (v2sf)  }
0x139: {  	[tilespmem:s22], [sflag:$0x1] =	stream.linear.gather [hbm4b:s23+s2], $0x80, $0x38;
	[tilespmem:$0x3080] =	vst v63  }
0x13a: {  	s8 =	sadd.s32 $0x100, s8;
	s26 =	sshrl.u32 s25, $0x3  }
0x13b: {  	[tilespmem:s24], [sflag:$0x1] =	stream.linear.gather [hbm4b:s8+s2], $0x80, $0x38;
	[tilespmem:$0x3080] =	vst v63  }
0x13c: {  	v1, _, _ =	vpop (xrf0);
	s9 =	smul.u32 $0xC00, s26;
	s8 =	sshll.u32 s25, $0x7  }
0x13d: {  	(v2sf) =	vpush v1, $0xF;
	s8 =	sand.u32 $0x380, s8  }
0x13e: {  	s28 =	sld [smem:$0x7D4];
	v54 =	vsel vm5, $0xFFFFFFFF, v48;
	s8 =	sor.u32 s8, s9  }
0x13f: {  	v1 =	vxor.u32 $0x80000000, v54;
	s8 =	sshrl.u32 s8, $0x3  }
0x140: {  	s29 =	sld [smem:$0x7D5];
	(xrf0) =	vmax.scan.msk.u32 $0xffff, v1;
	s8 =	sadd.s32 s3, s8  }
0x141: {  	[tilespmem:s28], [sflag:$0x1] =	stream.linear.gather [hbm4b:s8+s2], $0x80, $0x38;
	[tilespmem:$0x3080] =	vst v63  }
0x142: {  	s31 =	sld [smem:$0x7D6];
	s12 =	spop (v2sf);
	s30 =	sadd.s32 $0x80, s8  }
0x143: {  	[tilespmem:s29], [sflag:$0x1] =	stream.linear.gather [hbm4b:s30+s2], $0x80, $0x38;
	[tilespmem:$0x3080] =	vst v63  }
0x144: {  	s8 =	sadd.s32 $0x100, s8;
	s13 =	sshrl.u32 s12, $0x3  }
0x145: {  	[tilespmem:s31], [sflag:$0x1] =	stream.linear.gather [hbm4b:s8+s2], $0x80, $0x38;
	[tilespmem:$0x3080] =	vst v63  }
0x146: {  	v1, _, _ =	vpop (xrf0);
	s9 =	smul.u32 $0xC00, s13;
	s8 =	sshll.u32 s12, $0x7  }
0x147: {  	(v2sf) =	vpush v1, $0xF;
	s8 =	sand.u32 $0x380, s8  }
0x148: {  	v55 =	vsel vm6, $0xFFFFFFFF, v48;
	s14 =	sld [smem:$0x7D7];
	s8 =	sor.u32 s8, s9  }
0x149: {  	v1 =	vxor.u32 $0x80000000, v55;
	s8 =	sshrl.u32 s8, $0x3  }
0x14a: {  	s15 =	sld [smem:$0x7D8];
	(xrf0) =	vmax.scan.msk.u32 $0xffff, v1;
	s8 =	sadd.s32 s3, s8  }
0x14b: {  	[tilespmem:s14], [sflag:$0x1] =	stream.linear.gather [hbm4b:s8+s2], $0x80, $0x38;
	[tilespmem:$0x3080] =	vst v63  }
0x14c: {  	s17 =	sld [smem:$0x7D9];
	s18 =	spop (v2sf);
	s16 =	sadd.s32 $0x80, s8  }
0x14d: {  	[tilespmem:s15], [sflag:$0x1] =	stream.linear.gather [hbm4b:s16+s2], $0x80, $0x38;
	[tilespmem:$0x3080] =	vst v63  }
0x14e: {  	s19 =	sshrl.u32 s18, $0x3;
	s8 =	sadd.s32 $0x100, s8  }
0x14f: {  	[tilespmem:s17], [sflag:$0x1] =	stream.linear.gather [hbm4b:s8+s2], $0x80, $0x38;
	[tilespmem:$0x3080] =	vst v63  }
0x150: {  	v1, _, _ =	vpop (xrf0);
	s9 =	smul.u32 $0xC00, s19;
	s8 =	sshll.u32 s18, $0x7  }
0x151: {  	(v2sf) =	vpush v1, $0xF;
	s8 =	sand.u32 $0x380, s8  }
0x152: {  	v56 =	vsel vm7, $0xFFFFFFFF, v48;
	s20 =	sld [smem:$0x7DA];
	s8 =	sor.u32 s8, s9  }
0x153: {  	v1 =	vxor.u32 $0x80000000, v56;
	s8 =	sshrl.u32 s8, $0x3  }
0x154: {  	s21 =	sld [smem:$0x7DB];
	(xrf0) =	vmax.scan.msk.u32 $0xffff, v1;
	s8 =	sadd.s32 s3, s8  }
0x155: {  	[tilespmem:s20], [sflag:$0x1] =	stream.linear.gather [hbm4b:s8+s2], $0x80, $0x38;
	[tilespmem:$0x3080] =	vst v63  }
0x156: {  	s23 =	sld [smem:$0x7DC];
	s24 =	spop (v2sf);
	s22 =	sadd.s32 $0x80, s8  }
0x157: {  	[tilespmem:s21], [sflag:$0x1] =	stream.linear.gather [hbm4b:s22+s2], $0x80, $0x38;
	[tilespmem:$0x3080] =	vst v63  }
0x158: {  	s25 =	sshrl.u32 s24, $0x3;
	s8 =	sadd.s32 $0x100, s8  }
0x159: {  	[tilespmem:s23], [sflag:$0x1] =	stream.linear.gather [hbm4b:s8+s2], $0x80, $0x38;
	[tilespmem:$0x3080] =	vst v63  }
0x15a: {  	v1, _, _ =	vpop (xrf0);
	s9 =	smul.u32 $0xC00, s25;
	s8 =	sshll.u32 s24, $0x7  }
0x15b: {  	(v2sf) =	vpush v1, $0xF;
	s8 =	sand.u32 $0x380, s8  }
0x15c: {  	v57 =	vsel vm8, $0xFFFFFFFF, v48;
	s26 =	sld [smem:$0x7DD];
	s8 =	sor.u32 s8, s9  }
0x15d: {  	v1 =	vxor.u32 $0x80000000, v57;
	s8 =	sshrl.u32 s8, $0x3  }
0x15e: {  	s28 =	sld [smem:$0x7DE];
	(xrf0) =	vmax.scan.msk.u32 $0xffff, v1;
	s8 =	sadd.s32 s3, s8  }
0x15f: {  	[tilespmem:s26], [sflag:$0x1] =	stream.linear.gather [hbm4b:s8+s2], $0x80, $0x38;
	[tilespmem:$0x3080] =	vst v63  }
0x160: {  	s30 =	sld [smem:$0x7DF];
	s31 =	spop (v2sf);
	s29 =	sadd.s32 $0x80, s8  }
0x161: {  	[tilespmem:s28], [sflag:$0x1] =	stream.linear.gather [hbm4b:s29+s2], $0x80, $0x38;
	[tilespmem:$0x3080] =	vst v63  }
0x162: {  	s10 =	sshrl.u32 s31, $0x3;
	s8 =	sadd.s32 $0x100, s8  }
0x163: {  	[tilespmem:s30], [sflag:$0x1] =	stream.linear.gather [hbm4b:s8+s2], $0x80, $0x38;
	[tilespmem:$0x3080] =	vst v63  }
0x164: {  	v1, _, _ =	vpop (xrf0);
	s9 =	smul.u32 $0xC00, s10;
	s8 =	sshll.u32 s31, $0x7  }
0x165: {  	(v2sf) =	vpush v1, $0xF;
	s8 =	sand.u32 $0x380, s8  }
0x166: {  	s11 =	sld [smem:$0x7E0];
	v58 =	vsel vm9, $0xFFFFFFFF, v48;
	s8 =	sor.u32 s8, s9  }
0x167: {  	v1 =	vxor.u32 $0x80000000, v58;
	s8 =	sshrl.u32 s8, $0x3  }
0x168: {  	s12 =	sld [smem:$0x7E1];
	(xrf0) =	vmax.scan.msk.u32 $0xffff, v1;
	s8 =	sadd.s32 s3, s8  }
0x169: {  	[tilespmem:s11], [sflag:$0x1] =	stream.linear.gather [hbm4b:s8+s2], $0x80, $0x38;
	[tilespmem:$0x3080] =	vst v63  }
0x16a: {  	s14 =	sld [smem:$0x7E2];
	s15 =	spop (v2sf);
	s13 =	sadd.s32 $0x80, s8  }
0x16b: {  	[tilespmem:s12], [sflag:$0x1] =	stream.linear.gather [hbm4b:s13+s2], $0x80, $0x38;
	[tilespmem:$0x3080] =	vst v63  }
0x16c: {  	s16 =	sshrl.u32 s15, $0x3;
	s8 =	sadd.s32 $0x100, s8  }
0x16d: {  	[tilespmem:s14], [sflag:$0x1] =	stream.linear.gather [hbm4b:s8+s2], $0x80, $0x38;
	[tilespmem:$0x3080] =	vst v63  }
0x16e: {  	v1, _, _ =	vpop (xrf0);
	s9 =	smul.u32 $0xC00, s16;
	s8 =	sshll.u32 s15, $0x7  }
0x16f: {  	(v2sf) =	vpush v1, $0xF;
	s8 =	sand.u32 $0x380, s8  }
0x170: {  	v59 =	vsel vm10, $0xFFFFFFFF, v48;
	s17 =	sld [smem:$0x7E3];
	s8 =	sor.u32 s8, s9  }
0x171: {  	v1 =	vxor.u32 $0x80000000, v59;
	s8 =	sshrl.u32 s8, $0x3  }
0x172: {  	s18 =	sld [smem:$0x7E4];
	(xrf0) =	vmax.scan.msk.u32 $0xffff, v1;
	s8 =	sadd.s32 s3, s8  }
0x173: {  	[tilespmem:s17], [sflag:$0x1] =	stream.linear.gather [hbm4b:s8+s2], $0x80, $0x38;
	[tilespmem:$0x3080] =	vst v63  }
0x174: {  	s20 =	sld [smem:$0x7E5];
	s21 =	spop (v2sf);
	s19 =	sadd.s32 $0x80, s8  }
0x175: {  	[tilespmem:s18], [sflag:$0x1] =	stream.linear.gather [hbm4b:s19+s2], $0x80, $0x38;
	[tilespmem:$0x3080] =	vst v63  }
0x176: {  	s22 =	sshrl.u32 s21, $0x3;
	s8 =	sadd.s32 $0x100, s8  }
0x177: {  	[tilespmem:s20], [sflag:$0x1] =	stream.linear.gather [hbm4b:s8+s2], $0x80, $0x38;
	[tilespmem:$0x3080] =	vst v63  }
0x178: {  	v1, _, _ =	vpop (xrf0);
	s9 =	smul.u32 $0xC00, s22;
	s8 =	sshll.u32 s21, $0x7  }
0x179: {  	(v2sf) =	vpush v1, $0xF;
	s8 =	sand.u32 $0x380, s8  }
0x17a: {  	v60 =	vsel vm11, $0xFFFFFFFF, v48;
	s23 =	sld [smem:$0x7E6];
	s8 =	sor.u32 s8, s9  }
0x17b: {  	v1 =	vxor.u32 $0x80000000, v60;
	s8 =	sshrl.u32 s8, $0x3  }
0x17c: {  	s24 =	sld [smem:$0x7E7];
	(xrf0) =	vmax.scan.msk.u32 $0xffff, v1;
	s8 =	sadd.s32 s3, s8  }
0x17d: {  	[tilespmem:s23], [sflag:$0x1] =	stream.linear.gather [hbm4b:s8+s2], $0x80, $0x38;
	[tilespmem:$0x3080] =	vst v63  }
0x17e: {  	s26 =	sld [smem:$0x7E8];
	s28 =	spop (v2sf);
	s25 =	sadd.s32 $0x80, s8  }
0x17f: {  	[tilespmem:s24], [sflag:$0x1] =	stream.linear.gather [hbm4b:s25+s2], $0x80, $0x38;
	[tilespmem:$0x3080] =	vst v63  }
0x180: {  	s29 =	sshrl.u32 s28, $0x3;
	s8 =	sadd.s32 $0x100, s8  }
0x181: {  	[tilespmem:s26], [sflag:$0x1] =	stream.linear.gather [hbm4b:s8+s2], $0x80, $0x38;
	[tilespmem:$0x3080] =	vst v63  }
0x182: {  	v1, _, _ =	vpop (xrf0);
	s9 =	smul.u32 $0xC00, s29;
	s8 =	sshll.u32 s28, $0x7  }
0x183: {  	(v2sf) =	vpush v1, $0xF;
	s8 =	sand.u32 $0x380, s8  }
0x184: {  	v61 =	vsel vm12, $0xFFFFFFFF, v48;
	s30 =	sld [smem:$0x7E9];
	s8 =	sor.u32 s8, s9  }
0x185: {  	v1 =	vxor.u32 $0x80000000, v61;
	s8 =	sshrl.u32 s8, $0x3  }
0x186: {  	s31 =	sld [smem:$0x7EA];
	(xrf0) =	vmax.scan.msk.u32 $0xffff, v1;
	s8 =	sadd.s32 s3, s8  }
0x187: {  	[tilespmem:s30], [sflag:$0x1] =	stream.linear.gather [hbm4b:s8+s2], $0x80, $0x38;
	[tilespmem:$0x3080] =	vst v63  }
0x188: {  	s12 =	sld [smem:$0x7EB];
	s13 =	spop (v2sf);
	s11 =	sadd.s32 $0x80, s8  }
0x189: {  	[tilespmem:s31], [sflag:$0x1] =	stream.linear.gather [hbm4b:s11+s2], $0x80, $0x38;
	[tilespmem:$0x3080] =	vst v63  }
0x18a: {  	s14 =	sshrl.u32 s13, $0x3;
	s8 =	sadd.s32 $0x100, s8  }
0x18b: {  	[tilespmem:s12], [sflag:$0x1] =	stream.linear.gather [hbm4b:s8+s2], $0x80, $0x38;
	[tilespmem:$0x3080] =	vst v63  }
0x18c: {  	v1, _, _ =	vpop (xrf0);
	s9 =	smul.u32 $0xC00, s14;
	s8 =	sshll.u32 s13, $0x7  }
0x18d: {  	(v2sf) =	vpush v1, $0xF;
	s8 =	sand.u32 $0x380, s8  }
0x18e: {  	v62 =	vsel vm13, $0xFFFFFFFF, v48;
	s15 =	sld [smem:$0x7EC];
	s8 =	sor.u32 s8, s9  }
0x18f: {  	v1 =	vxor.u32 $0x80000000, v62;
	s8 =	sshrl.u32 s8, $0x3  }
0x190: {  	s16 =	sld [smem:$0x7ED];
	(xrf0) =	vmax.scan.msk.u32 $0xffff, v1;
	s8 =	sadd.s32 s3, s8  }
0x191: {  	[tilespmem:s15], [sflag:$0x1] =	stream.linear.gather [hbm4b:s8+s2], $0x80, $0x38;
	[tilespmem:$0x3080] =	vst v63  }
0x192: {  	s18 =	sld [smem:$0x7EE];
	s19 =	spop (v2sf);
	s17 =	sadd.s32 $0x80, s8  }
0x193: {  	[tilespmem:s16], [sflag:$0x1] =	stream.linear.gather [hbm4b:s17+s2], $0x80, $0x38;
	[tilespmem:$0x3080] =	vst v63  }
0x194: {  	s20 =	sshrl.u32 s19, $0x3;
	s8 =	sadd.s32 $0x100, s8  }
0x195: {  	[tilespmem:s18], [sflag:$0x1] =	stream.linear.gather [hbm4b:s8+s2], $0x80, $0x38;
	[tilespmem:$0x3080] =	vst v63  }
0x196: {  	v1, _, _ =	vpop (xrf0);
	s9 =	smul.u32 $0xC00, s20;
	s8 =	sshll.u32 s19, $0x7  }
0x197: {  	(v2sf) =	vpush v1, $0xF;
	s8 =	sand.u32 $0x380, s8  }
0x198: {  	v63 =	vsel vm14, $0xFFFFFFFF, v48;
	s21 =	sld [smem:$0x7EF];
	s8 =	sor.u32 s8, s9  }
0x199: {  	v1 =	vxor.u32 $0x80000000, v63;
	s8 =	sshrl.u32 s8, $0x3  }
0x19a: {  	s22 =	sld [smem:$0x7F0];
	(xrf0) =	vmax.scan.msk.u32 $0xffff, v1;
	s8 =	sadd.s32 s3, s8  }
0x19b: {  	[tilespmem:s21], [sflag:$0x1] =	stream.linear.gather [hbm4b:s8+s2], $0x80, $0x38;
	[tilespmem:$0x3080] =	vst v63  }
0x19c: {  	s24 =	sld [smem:$0x7F1];
	s25 =	spop (v2sf);
	s23 =	sadd.s32 $0x80, s8  }
0x19d: {  	[tilespmem:s22], [sflag:$0x1] =	stream.linear.gather [hbm4b:s23+s2], $0x80, $0x38;
	[tilespmem:$0x3080] =	vst v63  }
0x19e: {  	s26 =	sshrl.u32 s25, $0x3;
	s8 =	sadd.s32 $0x100, s8  }
0x19f: {  	[tilespmem:s24], [sflag:$0x1] =	stream.linear.gather [hbm4b:s8+s2], $0x80, $0x38;
	[tilespmem:$0x3080] =	vst v63  }
0x1a0: {  	v1, _, _ =	vpop (xrf0);
	s9 =	smul.u32 $0xC00, s26;
	s8 =	sshll.u32 s25, $0x7  }
0x1a1: {  	(v2sf) =	vpush v1, $0xF;
	s8 =	sand.u32 $0x380, s8  }
0x1a2: {  	v0 =	vsel vm15, $0xFFFFFFFF, v48;
	s28 =	sld [smem:$0x7F2];
	s8 =	sor.u32 s8, s9  }
0x1a3: {  	v0 =	vxor.u32 $0x80000000, v0;
	s8 =	sshrl.u32 s8, $0x3  }
0x1a4: {  	s29 =	sld [smem:$0x7F3];
	(xrf0) =	vmax.scan.msk.u32 $0xffff, v0;
	s8 =	sadd.s32 s3, s8  }
0x1a5: {  	[tilespmem:s28], [sflag:$0x1] =	stream.linear.gather [hbm4b:s8+s2], $0x80, $0x38;
	[tilespmem:$0x3080] =	vst v63  }
0x1a6: {  	s31 =	sld [smem:$0x7F4];
	s12 =	spop (v2sf);
	s30 =	sadd.s32 $0x80, s8  }
0x1a7: {  	[tilespmem:s29], [sflag:$0x1] =	stream.linear.gather [hbm4b:s30+s2], $0x80, $0x38;
	[tilespmem:$0x3080] =	vst v63  }
0x1a8: {  	s13 =	sshrl.u32 s12, $0x3;
	s8 =	sadd.s32 $0x100, s8  }
0x1a9: {  	[tilespmem:s31], [sflag:$0x1] =	stream.linear.gather [hbm4b:s8+s2], $0x80, $0x38;
	[tilespmem:$0x3080] =	vst v63  }
0x1aa: {  	v0, _, _ =	vpop (xrf0);
	s9 =	smul.u32 $0xC00, s13;
	s8 =	sshll.u32 s12, $0x7  }
0x1ab: {  	(v2sf) =	vpush v0, $0xF;
	s8 =	sand.u32 $0x380, s8  }
0x1ac: {  	s14 =	sld [smem:$0x7F5];
	s8 =	sor.u32 s8, s9  }
0x1ad: {  	s8 =	sshrl.u32 s8, $0x3  }
0x1ae: {  	s15 =	sld [smem:$0x7F6];
	s8 =	sadd.s32 s3, s8  }
0x1af: {  	[tilespmem:s14], [sflag:$0x1] =	stream.linear.gather [hbm4b:s8+s2], $0x80, $0x38;
	[tilespmem:$0x3080] =	vst v63  }
0x1b0: {  	s17 =	sld [smem:$0x7F7];
	s18 =	spop (v2sf);
	s16 =	sadd.s32 $0x80, s8  }
0x1b1: {  	[tilespmem:s15], [sflag:$0x1] =	stream.linear.gather [hbm4b:s16+s2], $0x80, $0x38;
	[tilespmem:$0x3080] =	vst v63  }
0x1b2: {  	s19 =	sshrl.u32 s18, $0x3;
	s8 =	sadd.s32 $0x100, s8  }
0x1b3: {  	[tilespmem:s17], [sflag:$0x1] =	stream.linear.gather [hbm4b:s8+s2], $0x80, $0x38;
	[tilespmem:$0x3080] =	vst v63  }
0x1b4: {  	s9 =	sshll.u32 s18, $0x7;
	s8 =	smul.u32 $0xC00, s19  }
0x1b5: {  	s9 =	sand.u32 $0x380, s9  }
0x1b6: {  	s20 =	sld [smem:$0x7F8];
	s8 =	sor.u32 s9, s8  }
0x1b7: {  	s8 =	sshrl.u32 s8, $0x3  }
0x1b8: {  	s21 =	sld [smem:$0x7F9];
	s8 =	sadd.s32 s3, s8  }
0x1b9: {  	[tilespmem:s20], [sflag:$0x1] =	stream.linear.gather [hbm4b:s8+s2], $0x80, $0x38;
	[tilespmem:$0x3080] =	vst v63  }
0x1ba: {  	s23 =	sld [smem:$0x7FA];
	s24 =	spop (v2sf);
	s22 =	sadd.s32 $0x80, s8  }
0x1bb: {  	[tilespmem:s21], [sflag:$0x1] =	stream.linear.gather [hbm4b:s22+s2], $0x80, $0x38;
	[tilespmem:$0x3080] =	vst v63  }
0x1bc: {  	s25 =	sshrl.u32 s24, $0x3;
	s8 =	sadd.s32 $0x100, s8  }
0x1bd: {  	[tilespmem:s23], [sflag:$0x1] =	stream.linear.gather [hbm4b:s8+s2], $0x80, $0x38;
	[tilespmem:$0x3080] =	vst v63  }
0x1be: {  	s9 =	smul.u32 $0xC00, s25;
	s8 =	sshll.u32 s24, $0x7  }
0x1bf: {  	s8 =	sand.u32 $0x380, s8  }
0x1c0: {  	s26 =	sld [smem:$0x7FB];
	s8 =	sor.u32 s8, s9  }
0x1c1: {  	s8 =	sshrl.u32 s8, $0x3  }
0x1c2: {  	s28 =	sld [smem:$0x7FC];
	s8 =	sadd.s32 s3, s8  }
0x1c3: {  	[tilespmem:s26], [sflag:$0x1] =	stream.linear.gather [hbm4b:s8+s2], $0x80, $0x38;
	[tilespmem:$0x3080] =	vst v63  }
0x1c4: {  	s30 =	sld [smem:$0x7FD];
	s29 =	sadd.s32 $0x80, s8  }
0x1c5: {  	[tilespmem:s28], [sflag:$0x1] =	stream.linear.gather [hbm4b:s29+s2], $0x80, $0x38;
	[tilespmem:$0x3080] =	vst v63  }
0x1c6: {  	s8 =	sadd.s32 $0x100, s8  }
0x1c7: {  	[tilespmem:s30], [sflag:$0x1] =	stream.linear.gather [hbm4b:s8+s2], $0x80, $0x38;
	[tilespmem:$0x3080] =	vst v63  }
0x1c8: {  	_ =	swait.ge [sflag:s7], $0x180  }
0x1c9: {  	[sflag:s7] =	ssyncset.done $0x0  }
0x1ca: {  	[sflag:s7] =	ssyncadd.s32 $0xFFFFFE80  }
0x1cb: {  	_ =	swait.ge [sflag:s7], $0x180  }
0x1cc: {  	[sflag:s7] =	ssyncset.done $0x0  }
0x1cd: {  	[sflag:s7] =	ssyncadd.s32 $0xFFFFFE80  }
0x1ce: {  	_ =	swait.ge [sflag:s7], $0x180  }
0x1cf: {  	[sflag:s7] =	ssyncset.done $0x0  }
0x1d0: {  	[sflag:s7] =	ssyncadd.s32 $0xFFFFFE80  }
0x1d1: {  	_ =	swait.ge [sflag:s7], $0x180  }
0x1d2: {  	[sflag:s7] =	ssyncset.done $0x0  }
0x1d3: {  	[sflag:s7] =	ssyncadd.s32 $0xFFFFFE80  }
0x1d4: {  	_ =	swait.ge [sflag:s7], $0x180  }
0x1d5: {  	[sflag:s7] =	ssyncset.done $0x0  }
0x1d6: {  	[sflag:s7] =	ssyncadd.s32 $0xFFFFFE80  }
0x1d7: {  	_ =	swait.ge [sflag:s7], $0x180  }
0x1d8: {  	[sflag:s7] =	ssyncset.done $0x0  }
0x1d9: {  	[sflag:s7] =	ssyncadd.s32 $0xFFFFFE80  }
0x1da: {  	_ =	swait.ge [sflag:s7], $0x180  }
0x1db: {  	[sflag:s7] =	ssyncset.done $0x0  }
0x1dc: {  	[sflag:s7] =	ssyncadd.s32 $0xFFFFFE80  }
0x1dd: {  	_ =	swait.ge [sflag:s7], $0x180  }
0x1de: {  	[sflag:s7] =	ssyncset.done $0x0  }
0x1df: {  	[sflag:s7] =	ssyncadd.s32 $0xFFFFFE80  }
0x1e0: {  	_ =	swait.ge [sflag:s7], $0x180  }
0x1e1: {  	[sflag:s7] =	ssyncset.done $0x0  }
0x1e2: {  	[sflag:s7] =	ssyncadd.s32 $0xFFFFFE80  }
0x1e3: {  	_ =	swait.ge [sflag:s7], $0x180  }
0x1e4: {  	[sflag:s7] =	ssyncset.done $0x0  }
0x1e5: {  	[sflag:s7] =	ssyncadd.s32 $0xFFFFFE80  }
0x1e6: {  	_ =	swait.ge [sflag:s7], $0x180  }
0x1e7: {  	[sflag:s7] =	ssyncset.done $0x0  }
0x1e8: {  	[sflag:s7] =	ssyncadd.s32 $0xFFFFFE80  }
0x1e9: {  	_ =	swait.ge [sflag:s7], $0x180  }
0x1ea: {  	[sflag:s7] =	ssyncset.done $0x0  }
0x1eb: {  	[sflag:s7] =	ssyncadd.s32 $0xFFFFFE80  }
0x1ec: {  	_ =	swait.ge [sflag:s7], $0x180  }
0x1ed: {  	[sflag:s7] =	ssyncset.done $0x0  }
0x1ee: {  	[sflag:s7] =	ssyncadd.s32 $0xFFFFFE80  }
0x1ef: {  	_ =	swait.ge [sflag:s7], $0x180  }
0x1f0: {  	[sflag:s7] =	ssyncset.done $0x0  }
0x1f1: {  	[sflag:s7] =	ssyncadd.s32 $0xFFFFFE80  }
0x1f2: {  	_ =	swait.ge [sflag:s7], $0x180  }
0x1f3: {  	[sflag:s7] =	ssyncset.done $0x0  }
0x1f4: {  	[sflag:s7] =	ssyncadd.s32 $0xFFFFFE80  }
0x1f5: {  	_ =	swait.ge [sflag:s7], $0x180  }
0x1f6: {  	[sflag:s7] =	ssyncset.done $0x0  }
0x1f7: {  	[sflag:s7] =	ssyncadd.s32 $0xFFFFFE80  }
0x1f8: {  	_ =	swait.ge [sflag:s7], $0x180  }
0x1f9: {  	[sflag:s7] =	ssyncset.done $0x0  }
0x1fa: {  	[sflag:s7] =	ssyncadd.s32 $0xFFFFFE80  }
0x1fb: {  	_ =	swait.ge [sflag:s7], $0x180  }
0x1fc: {  	[sflag:s7] =	ssyncset.done $0x0  }
0x1fd: {  	[sflag:s7] =	ssyncadd.s32 $0xFFFFFE80  }
0x1fe: {  	_ =	swait.ge [sflag:s7], $0x180  }
0x1ff: {  	[sflag:s7] =	ssyncset.done $0x0  }
0x200: {  	[sflag:s7] =	ssyncadd.s32 $0xFFFFFE80  }
0x201: {  	_ =	swait.ge [sflag:s7], $0x180  }
0x202: {  	[sflag:s7] =	ssyncset.done $0x0  }
0x203: {  	[sflag:s7] =	ssyncadd.s32 $0xFFFFFE80  }
0x204: {  	_ =	swait.ge [sflag:s7], $0x180  }
0x205: {  	[sflag:s7] =	ssyncset.done $0x0  }
0x206: {  	[sflag:s7] =	ssyncadd.s32 $0xFFFFFE80  }
0x207: {  	_ =	swait.ge [sflag:s7], $0x180  }
0x208: {  	[sflag:s7] =	ssyncset.done $0x0  }
0x209: {  	[sflag:s7] =	ssyncadd.s32 $0xFFFFFE80  }
0x20a: {  	_ =	swait.ge [sflag:s7], $0x180  }
0x20b: {  	[sflag:s7] =	ssyncset.done $0x0  }
0x20c: {  	[sflag:s7] =	ssyncadd.s32 $0xFFFFFE80  }
0x20d: {  	_ =	swait.ge [sflag:s7], $0x180  }
0x20e: {  	[sflag:s7] =	ssyncset.done $0x0  }
0x20f: {  	[sflag:s7] =	ssyncadd.s32 $0xFFFFFE80  }
0x210: {  	_ =	swait.ge [sflag:s7], $0x180  }
0x211: {  	[sflag:s7] =	ssyncset.done $0x0  }
0x212: {  	[sflag:s7] =	ssyncadd.s32 $0xFFFFFE80  }
0x213: {  	_ =	swait.ge [sflag:s7], $0x180  }
0x214: {  	[sflag:s7] =	ssyncset.done $0x0  }
0x215: {  	[sflag:s7] =	ssyncadd.s32 $0xFFFFFE80  }
0x216: {  	_ =	swait.ge [sflag:s7], $0x180  }
0x217: {  	[sflag:s7] =	ssyncset.done $0x0  }
0x218: {  	[sflag:s7] =	ssyncadd.s32 $0xFFFFFE80  }
0x219: {  	_ =	swait.ge [sflag:s7], $0x180  }
0x21a: {  	[sflag:s7] =	ssyncset.done $0x0  }
0x21b: {  	[sflag:s7] =	ssyncadd.s32 $0xFFFFFE80  }
0x21c: {  	_ =	swait.ge [sflag:s7], $0x180  }
0x21d: {  	[sflag:s7] =	ssyncset.done $0x0  }
0x21e: {  	[sflag:s7] =	ssyncadd.s32 $0xFFFFFE80  }
0x21f: {  	_ =	swait.ge [sflag:s7], $0x180  }
0x220: {  	[sflag:s7] =	ssyncset.done $0x0  }
0x221: {  	[sflag:s7] =	ssyncadd.s32 $0xFFFFFE80  }
0x222: {  	_ =	swait.ge [sflag:s7], $0x180  }
0x223: {  	[sflag:s7] =	ssyncset.done $0x0  }
0x224: {  	[sflag:s7] =	ssyncadd.s32 $0xFFFFFE80  }
0x225: {  	_ =	swait.ge [sflag:s7], $0x180  }
0x226: {  	p0 =	sne.s32 s4, $0x1;
	[sflag:s7] =	ssyncset.done $0x0  }
.Ltmp0:
0x227: {  	s31 =	rddreg [dreg:$0x4];
	[sflag:s7] =	ssyncadd.s32 $0xFFFFFE80;
	(pc) =	sbr.rel @p0 .LBB2_1-.Ltmp0, $4  }
0x228: {  	[hbm4b:s31+s2] =	stream.linear.scatter [tilespmem:s6], [sflag:$0x2], $0x3000, $0x38;
	[tilespmem:$0x3080] =	vst v63  }
0x229: {  	_ =	swait.ge [sflag:s5], $0x3000  }
0x22a: {  	[sflag:s5] =	ssyncset.done $0x0  }
0x22b: {  	s4 =	sadd.s32 $0xFFFFFFFF, s4;
	[sflag:s5] =	ssyncadd.s32 $0xFFFFD000  }
0x22c: {  	_ =	sfence.sel $0x180000  }
0x22d: {  	[bflag:$0x0] =	sbarrier.arrive $0xFFFF  }
0x22e: {  	p0 =	sne.s32 s0, $0x0;
	_ =	strace $0x90000047  }
0x22f: {  	s0 =	sadd.s32 @!p0 $0x100000, s1;
	[bflag:$0x2] =	sbarrier.arrive $0xFFFF  }
0x230: {  	[sflag:s0] =	ssyncadd.tile.s32 @!p0 $0x1;
	_ =	shalt  }
.Lfunc_end2:
_tile_overlayer_lowered:
.L_overlay_start_2:
0x231: {  	(tag) =	ssettag $0x2  }
0x232: {  	s0 =	rddreg [dreg:$0x0];
	s2 =	stileid.u32  }
0x233: {  	s1 =	rddreg [dreg:$0x1];
	p0 =	sne.s32 s2, $0x0  }
0x234: {  	s3 =	rddreg [dreg:$0x2];
	[bflag:$0x3] =	sbarrier.arrive $0xFFFF;
	s2 =	simm.s32 @!p0 $0x1C02  }
0x235: {  	[timem:s3], [sflag:s2] =	dma.local @!p0 [hbm:s0], s1  }
0x236: {  	s0 =	simm.s32 @!p0 $0x2  }
0x237: {  	_ =	swait.ge @!p0 [sflag:s0], s1  }
0x238: {  	s1 =	ssub.s32 @!p0 $0x0, s1;
	[sflag:s0] =	ssyncset.done @!p0 $0x0  }
0x239: {  	[sflag:s0] =	ssyncadd.s32 @!p0 s1  }
0x23a: {  	[bflag:$0x3] =	sbarrier.arrive $0xFFFF  }
0x23b: {  	_ =	shalt  }

</sc_bundles>
